<compile_context>
chip_gen: v7x
topology: tpu7x:2x2x1
jax: 0.10.2.dev20260603
libtpu: 0.0.44.dev20260713+nightly
codegen_flags: <defaults>
</compile_context>

<pallas_src>
import functools

import jax
import jax.numpy as jnp
from jax import lax
from jax.experimental import pallas as pl
from jax.experimental.pallas import tpu as pltpu
from jax.experimental.pallas import tpu_sc as plsc

_N = 10000
_E = 320000
_NT = 16
_NC = 2
_CH = 128
_CPT = 157
_EPAD = _NT * _CPT * _CH
_ER = _EPAD // _CH
_NTR = _N + 48
_AR = 2 * _NTR
_D2 = 64
_DC = 16
_STRIPE = _AR // _NT
_DIN = 1664
_BROW = 1000


def _leaky(x):
    return jnp.where(x > 0, x, 0.01 * x)



def _enc_body(inp_ref, we_ref, be_ref, wi_ref, bi_ref, out_ref):
    x = jnp.dot(inp_ref[...], we_ref[...], preferred_element_type=jnp.float32)
    x = _leaky(x + be_ref[...])
    x = jnp.dot(x, wi_ref[...], preferred_element_type=jnp.float32)
    out_ref[...] = _leaky(x + bi_ref[...])


def _idx_body(src_ref, dst_ref, typ_ref, g0_ref, g1_ref, w_ref):
    src = src_ref[...]
    g0_ref[...] = src * 2
    g1_ref[...] = src * 2 + 1
    t = typ_ref[...]
    lane = lax.broadcasted_iota(jnp.int32, t.shape, 1)
    w_ref[...] = jnp.where(t < 2, t * _NTR + dst_ref[...], _N + (lane & 7))


def _combine(xa_ref, p00, p01, p10, p11, c0, c1, wroot, b, wr0, wr1):
    y = jnp.dot(xa_ref[...], wroot[...], preferred_element_type=jnp.float32)
    y = y + b[...]
    for plo, phi, cr, wr in ((p00, p10, c0, wr0), (p01, p11, c1, wr1)):
        s = jnp.concatenate([plo[...], phi[...]], axis=1)
        s = s * (1.0 / jnp.maximum(cr[:, 0:1], 1.0))
        y = y + jnp.dot(s, wr[...], preferred_element_type=jnp.float32)
    return y


def _mid_body(xa_ref, p00, p01, p10, p11, c0, c1, wroot, b, wr0, wr1, out_ref):
    out_ref[...] = _combine(xa_ref, p00, p01, p10, p11, c0, c1,
                             wroot, b, wr0, wr1)


def _head_body(xa_ref, p00, p01, p10, p11, c0, c1, wroot, b, wr0, wr1,
               wo1, bo1, wo2, bo2, out_ref):
    y = _combine(xa_ref, p00, p01, p10, p11, c0, c1, wroot, b, wr0, wr1)
    h = _leaky(jnp.dot(y, wo1[...], preferred_element_type=jnp.float32) + bo1[...])
    out_ref[...] = jnp.dot(h, wo2[...], preferred_element_type=jnp.float32) + bo2[...]


def _row_spec(width):
    return pl.BlockSpec((_BROW, width), lambda i: (i, 0))


def _full_spec(shape):
    return pl.BlockSpec(shape, lambda i: tuple(0 for _ in shape))



def _sc_seg_body(x2, gidx, widx, zeros_hbm, out, gidx_v, widx_v, rows_v, acc, sem):
    c = lax.axis_index("c")
    s = lax.axis_index("s")
    r0 = s * _STRIPE
    pltpu.sync_copy(zeros_hbm, acc.at[pl.ds(r0, _STRIPE)])
    pltpu.sync_copy(gidx.at[c].at[s], gidx_v)
    pltpu.sync_copy(widx.at[s], widx_v)
    plsc.subcore_barrier()

    def step(j, carry):
        pltpu.async_copy(x2.at[gidx_v.at[j]], rows_v.at[0], sem).wait()
        pltpu.sync_copy(rows_v.at[0], acc.at[widx_v.at[j]], add=True)
        return carry

    lax.fori_loop(0, _CPT, step, 0)
    plsc.subcore_barrier()
    pltpu.sync_copy(acc.at[pl.ds(r0, _STRIPE)], out.at[c].at[pl.ds(r0, _STRIPE)])


def _sc_cnt_body(widx, ones_hbm, zeros_hbm, out, widx_v, ones_v, acc):
    c = lax.axis_index("c")
    s = lax.axis_index("s")
    r0 = s * _STRIPE
    pltpu.sync_copy(zeros_hbm, acc.at[pl.ds(r0, _STRIPE)])
    pltpu.sync_copy(ones_hbm, ones_v)
    pltpu.sync_copy(widx.at[s], widx_v)
    plsc.subcore_barrier()

    def step(j, carry):
        pltpu.sync_copy(ones_v, acc.at[widx_v.at[j]], add=True)
        return carry

    lax.fori_loop(0, _CPT, step, 0)
    plsc.subcore_barrier()
    pltpu.sync_copy(acc.at[pl.ds(r0, _STRIPE)], out.at[c].at[pl.ds(r0, _STRIPE)])


def _make_sc_fns():
    mesh = plsc.VectorSubcoreMesh(core_axis_name="c", subcore_axis_name="s")
    seg = pl.kernel(
        _sc_seg_body,
        out_type=jax.ShapeDtypeStruct((_NC, _AR, _D2), jnp.float32),
        mesh=mesh,
        scratch_types=[
            pltpu.VMEM((_CPT, _CH), jnp.int32),
            pltpu.VMEM((_CPT, _CH), jnp.int32),
            pltpu.VMEM((1, _CH, _D2), jnp.float32),
            pltpu.VMEM_SHARED((_AR, _D2), jnp.float32),
            pltpu.SemaphoreType.DMA,
        ],
        name="rgcn_seg_accumulate",
        compiler_params=pltpu.CompilerParams(use_tc_tiling_on_sc=False),
    )
    cnt = pl.kernel(
        _sc_cnt_body,
        out_type=jax.ShapeDtypeStruct((_NC, _AR, _DC), jnp.float32),
        mesh=mesh,
        scratch_types=[
            pltpu.VMEM((_CPT, _CH), jnp.int32),
            pltpu.VMEM((_CH, _DC), jnp.float32),
            pltpu.VMEM_SHARED((_AR, _DC), jnp.float32),
        ],
        name="rgcn_degree_count",
        compiler_params=pltpu.CompilerParams(use_tc_tiling_on_sc=False),
    )
    return seg, cnt


def _seg_accumulate(x2, gidx, widx, zeros_h):
    return _make_sc_fns()[0](x2, gidx, widx, zeros_h)


def _deg_count(widx, ones_h, zeros_h):
    return _make_sc_fns()[1](widx, ones_h, zeros_h)


def _split_acc(o):
    return (o[0, :_N], o[0, _NTR:_NTR + _N], o[1, :_N], o[1, _NTR:_NTR + _N])



def kernel(des, tweet, num_prop, cat_prop, new_feature, edge_index, edge_type,
           W_des, b_des, W_tw, b_tw, W_np, b_np, W_cp, b_cp, W_nf, b_nf,
           W_in, b_in, Wr1, Wroot1, b1, Wr2, Wroot2, b2, W_o1, b_o1, W_o2, b_o2):
    f32 = jnp.float32
    inp = jnp.concatenate([des, tweet, num_prop, cat_prop, new_feature], axis=1)
    inp = jnp.pad(inp, ((0, 0), (0, _DIN - 1555)))
    we = jnp.zeros((_DIN, 128), f32)
    we = we.at[0:768, 0:28].set(W_des)
    we = we.at[768:1536, 28:64].set(W_tw)
    we = we.at[1536:1543, 64:76].set(W_np)
    we = we.at[1543:1554, 76:116].set(W_cp)
    we = we.at[1554:1555, 116:128].set(W_nf)
    be = jnp.concatenate([b_des, b_tw, b_np, b_cp, b_nf]).reshape(1, 128)

    xenc = pl.pallas_call(
        _enc_body,
        grid=(_N // _BROW,),
        in_specs=[
            _row_spec(_DIN),
            _full_spec((_DIN, 128)),
            _full_spec((1, 128)),
            _full_spec((128, 128)),
            _full_spec((1, 128)),
        ],
        out_specs=_row_spec(128),
        out_shape=jax.ShapeDtypeStruct((_N, 128), f32),
    )(inp, we, be, W_in, b_in.reshape(1, 128))

    pad = _EPAD - _E
    src = jnp.pad(edge_index[0], (0, pad)).reshape(_ER, _CH)
    dst = jnp.pad(edge_index[1], (0, pad)).reshape(_ER, _CH)
    typ = jnp.pad(edge_type, (0, pad), constant_values=2).reshape(_ER, _CH)
    ispec = _full_spec((_ER, _CH))
    g0, g1, widx = pl.pallas_call(
        _idx_body,
        grid=(1,),
        in_specs=[ispec, ispec, ispec],
        out_specs=[ispec, ispec, ispec],
        out_shape=[jax.ShapeDtypeStruct((_ER, _CH), jnp.int32)] * 3,
    )(src, dst, typ)
    gidx = jnp.stack([g0, g1]).reshape(_NC, _NT, _CPT, _CH)
    widx = widx.reshape(_NT, _CPT, _CH)
    zeros_h = jnp.zeros((_STRIPE, _D2), f32)

    oc = _deg_count(widx, jnp.ones((_CH, _DC), f32), jnp.zeros((_STRIPE, _DC), f32))
    c0 = oc[0, :_N]
    c1 = oc[0, _NTR:_NTR + _N]

    o1 = _seg_accumulate(xenc.reshape(2 * _N, _D2), gidx, widx, zeros_h)
    wspec = _full_spec((128, 128))
    bspec = _full_spec((1, 128))
    pspec = _row_spec(_D2)
    cspec = _row_spec(_DC)
    x1 = pl.pallas_call(
        _mid_body,
        grid=(_N // _BROW,),
        in_specs=[_row_spec(128), pspec, pspec, pspec, pspec, cspec, cspec,
                  wspec, bspec, wspec, wspec],
        out_specs=_row_spec(128),
        out_shape=jax.ShapeDtypeStruct((_N, 128), f32),
    )(xenc, *_split_acc(o1), c0, c1, Wroot1, b1.reshape(1, 128), Wr1[0], Wr1[1])

    o2 = _seg_accumulate(x1.reshape(2 * _N, _D2), gidx, widx, zeros_h)
    wo2 = jnp.zeros((128, 128), f32).at[:, :2].set(W_o2)
    bo2 = jnp.zeros((1, 128), f32).at[0, :2].set(b_o2)
    out = pl.pallas_call(
        _head_body,
        grid=(_N // _BROW,),
        in_specs=[_row_spec(128), pspec, pspec, pspec, pspec, cspec, cspec,
                  wspec, bspec, wspec, wspec,
                  wspec, bspec, wspec, bspec],
        out_specs=_row_spec(128),
        out_shape=jax.ShapeDtypeStruct((_N, 128), f32),
    )(x1, *_split_acc(o2), c0, c1, Wroot2, b2.reshape(1, 128), Wr2[0], Wr2[1],
      W_o1, b_o1.reshape(1, 128), wo2, bo2)
    return out[:, :2]

# --- scband reference (transcript-rebuilt; emitter-appended) ---
"""Pipeline reference for scband-esacustom-bot-rgcn-32590211842593 (READ-ONLY COPY).

The authoritative reference and input builder live on the scoring server;
editing this copy changes nothing except your own understanding.
"""

import jax, jax.numpy as jnp
import numpy as np

N = 10000
E = 320000

def _leaky(x):
    return jnp.where(x > 0, x, 0.01 * x)

def _rgcn(x, edge_index, edge_type, Wr, Wroot, b, num_relations=2):
    src = edge_index[0]
    dst = edge_index[1]
    n = x.shape[0]
    out = x @ Wroot + b
    for r in range(num_relations):
        mask = (edge_type == r).astype(x.dtype)
        msg = (x[src] @ Wr[r]) * mask[:, None]
        agg = jax.ops.segment_sum(msg, dst, num_segments=n)
        cnt = jax.ops.segment_sum(mask, dst, num_segments=n)
        out = out + agg / jnp.maximum(cnt, 1.0)[:, None]
    return out

def setup_inputs(seed: int = 0):
    key = jax.random.key(seed)
    ks = iter(jax.random.split(key, 40))
    def nrm(shape, scale):
        return jax.random.normal(next(ks), shape, dtype=jnp.float32) * scale
    inp = {}
    inp['des'] = nrm((N, 768), 1.0)
    inp['tweet'] = nrm((N, 768), 1.0)
    inp['num_prop'] = nrm((N, 7), 1.0)
    inp['cat_prop'] = nrm((N, 11), 1.0)
    inp['new_feature'] = nrm((N, 1), 1.0)
    inp['edge_index'] = jax.random.randint(next(ks), (2, E), 0, N, dtype=jnp.int32)
    inp['edge_type'] = jax.random.randint(next(ks), (E,), 0, 2, dtype=jnp.int32)
    inp['W_des'] = nrm((768, 28), 0.05); inp['b_des'] = jnp.zeros((28,), jnp.float32)
    inp['W_tw'] = nrm((768, 36), 0.05); inp['b_tw'] = jnp.zeros((36,), jnp.float32)
    inp['W_np'] = nrm((7, 12), 0.3); inp['b_np'] = jnp.zeros((12,), jnp.float32)
    inp['W_cp'] = nrm((11, 40), 0.3); inp['b_cp'] = jnp.zeros((40,), jnp.float32)
    inp['W_nf'] = nrm((1, 12), 0.3); inp['b_nf'] = jnp.zeros((12,), jnp.float32)
    inp['W_in'] = nrm((128, 128), 0.08); inp['b_in'] = jnp.zeros((128,), jnp.float32)
    inp['Wr1'] = nrm((2, 128, 128), 0.08); inp['Wroot1'] = nrm((128, 128), 0.08); inp['b1'] = jnp.zeros((128,), jnp.float32)
    inp['Wr2'] = nrm((2, 128, 128), 0.08); inp['Wroot2'] = nrm((128, 128), 0.08); inp['b2'] = jnp.zeros((128,), jnp.float32)
    inp['W_o1'] = nrm((128, 128), 0.08); inp['b_o1'] = jnp.zeros((128,), jnp.float32)
    inp['W_o2'] = nrm((128, 2), 0.08); inp['b_o2'] = jnp.zeros((2,), jnp.float32)
    return inp

def reference(des, tweet, num_prop, cat_prop, new_feature, edge_index, edge_type,
              W_des, b_des, W_tw, b_tw, W_np, b_np, W_cp, b_cp, W_nf, b_nf,
              W_in, b_in, Wr1, Wroot1, b1, Wr2, Wroot2, b2, W_o1, b_o1, W_o2, b_o2):
    d = _leaky(des @ W_des + b_des)
    t = _leaky(tweet @ W_tw + b_tw)
    n = _leaky(num_prop @ W_np + b_np)
    c = _leaky(cat_prop @ W_cp + b_cp)
    nf = _leaky(new_feature @ W_nf + b_nf)
    x = jnp.concatenate([d, t, n, c, nf], axis=1)
    x = _leaky(x @ W_in + b_in)
    x = _rgcn(x, edge_index, edge_type, Wr1, Wroot1, b1)
    # dropout is identity in eval mode
    x = _rgcn(x, edge_index, edge_type, Wr2, Wroot2, b2)
    x = _leaky(x @ W_o1 + b_o1)
    x = x @ W_o2 + b_o2
    return x

if __name__ == "__main__":
    import jax
    _d = setup_inputs()
    print(jax.jit(kernel)(*tuple(_d.values())))

</pallas_src>

<mosaic_0001>
#map = affine_map<(d0, d1) -> (0, 0)>
#map1 = affine_map<(d0, d1) -> (0, 0, 0, 0)>
#map2 = affine_map<(d0, d1) -> (0, 0, 0)>
module attributes {stable_mosaic.version = 14 : i64} {
  func.func @rgcn_seg_accumulate(%arg0: i32, %arg1: i32, %arg2: memref<20000x64xf32, #tpu.memory_space<hbm>>, %arg3: memref<2x16x157x128xi32, #tpu.memory_space<hbm>>, %arg4: memref<16x157x128xi32, #tpu.memory_space<hbm>>, %arg5: memref<1256x64xf32, #tpu.memory_space<hbm>>, %arg6: memref<2x20096x64xf32, #tpu.memory_space<hbm>>, %arg7: memref<157x128xi32, #tpu.memory_space<vmem>>, %arg8: memref<157x128xi32, #tpu.memory_space<vmem>>, %arg9: memref<1x128x64xf32, #tpu.memory_space<vmem>>, %arg10: memref<20096x64xf32, #tpu.memory_space<vmem_shared>>, %arg11: memref<!tpu.dma_semaphore, #tpu.memory_space<semaphore_mem>>) attributes {dimension_semantics = [#tpu.dimension_semantics<core_parallel>, #tpu.dimension_semantics<subcore_parallel>], iteration_bounds = array<i64: 2, 16>, scalar_prefetch = 0 : i64, scratch_operands = 5 : i64, tpu.core_type = #tpu.core_type<sc_vector_subcore>, window_params = [{transform_indices = #map}, {transform_indices = #map1}, {transform_indices = #map2}, {transform_indices = #map}, {transform_indices = #map2}]} {
    %mul3A = arith.constant 1256 : i32
    %mul3A_0 = arith.muli %arg1, %mul3A : i32
    "tpu.region"() ({
      %run_scoped3A = tpu.sem_alloc : memref<!tpu.dma_semaphore, #tpu.memory_space<semaphore_mem>>
      %dma_start3A = arith.constant 0 : i32
      %dma_start3A_7 = tpu.memref_slice %arg10[%mul3A_0, %dma_start3A] : memref<20096x64xf32, #tpu.memory_space<vmem_shared>> -> memref<1256x64xf32, #tpu.memory_space<vmem_shared>>
      tpu.enqueue_dma source(%arg5 : memref<1256x64xf32, #tpu.memory_space<hbm>>) target(%dma_start3A_7 : memref<1256x64xf32, #tpu.memory_space<vmem_shared>>) target_semaphore(%run_scoped3A : memref<!tpu.dma_semaphore, #tpu.memory_space<semaphore_mem>>)
      %dma_wait3A = arith.constant 0 : i32
      %dma_wait3A_8 = tpu.memref_slice %arg10[%mul3A_0, %dma_wait3A] : memref<20096x64xf32, #tpu.memory_space<vmem_shared>> -> memref<1256x64xf32, #tpu.memory_space<vmem_shared>>
      tpu.wait_dma2 semaphore(%run_scoped3A : memref<!tpu.dma_semaphore, #tpu.memory_space<semaphore_mem>>) src(%arg5 : memref<1256x64xf32, #tpu.memory_space<hbm>>) dst(%dma_wait3A_8 : memref<1256x64xf32, #tpu.memory_space<vmem_shared>>)
      tpu.yield
    }) : () -> ()
    "tpu.region"() ({
      %run_scoped3A = tpu.sem_alloc : memref<!tpu.dma_semaphore, #tpu.memory_space<semaphore_mem>>
      %dma_start3A = arith.constant 0 : i32
      %dma_start3A_7 = arith.constant 0 : i32
      %dma_start3A_8 = arith.constant 0 : i32
      %dma_start3A_9 = tpu.memref_slice %arg3[%arg0, %dma_start3A, %dma_start3A_7, %dma_start3A_8] : memref<2x16x157x128xi32, #tpu.memory_space<hbm>> -> memref<1x16x157x128xi32, #tpu.memory_space<hbm>>
      %dma_start3A_10 = tpu.memref_squeeze %dma_start3A_9 : memref<1x16x157x128xi32, #tpu.memory_space<hbm>> -> memref<16x157x128xi32, #tpu.memory_space<hbm>>
      %dma_start3A_11 = arith.constant 0 : i32
      %dma_start3A_12 = arith.constant 0 : i32
      %dma_start3A_13 = tpu.memref_slice %dma_start3A_10[%arg1, %dma_start3A_11, %dma_start3A_12] : memref<16x157x128xi32, #tpu.memory_space<hbm>> -> memref<1x157x128xi32, #tpu.memory_space<hbm>>
      %dma_start3A_14 = tpu.memref_squeeze %dma_start3A_13 : memref<1x157x128xi32, #tpu.memory_space<hbm>> -> memref<157x128xi32, #tpu.memory_space<hbm>>
      %dma_start3A_15 = arith.constant 0 : i32
      %dma_start3A_16 = arith.constant 0 : i32
      %dma_start3A_17 = arith.constant 0 : i32
      %dma_start3A_18 = tpu.memref_slice %arg3[%arg0, %dma_start3A_15, %dma_start3A_16, %dma_start3A_17] : memref<2x16x157x128xi32, #tpu.memory_space<hbm>> -> memref<1x16x157x128xi32, #tpu.memory_space<hbm>>
      %dma_start3A_19 = tpu.memref_squeeze %dma_start3A_18 : memref<1x16x157x128xi32, #tpu.memory_space<hbm>> -> memref<16x157x128xi32, #tpu.memory_space<hbm>>
      %dma_start3A_20 = arith.constant 0 : i32
      %dma_start3A_21 = arith.constant 0 : i32
      %dma_start3A_22 = tpu.memref_slice %dma_start3A_19[%arg1, %dma_start3A_20, %dma_start3A_21] : memref<16x157x128xi32, #tpu.memory_space<hbm>> -> memref<1x157x128xi32, #tpu.memory_space<hbm>>
      %dma_start3A_23 = tpu.memref_squeeze %dma_start3A_22 : memref<1x157x128xi32, #tpu.memory_space<hbm>> -> memref<157x128xi32, #tpu.memory_space<hbm>>
      tpu.enqueue_dma source(%dma_start3A_23 : memref<157x128xi32, #tpu.memory_space<hbm>>) target(%arg7 : memref<157x128xi32, #tpu.memory_space<vmem>>) target_semaphore(%run_scoped3A : memref<!tpu.dma_semaphore, #tpu.memory_space<semaphore_mem>>)
      %dma_wait3A = arith.constant 0 : i32
      %dma_wait3A_24 = arith.constant 0 : i32
      %dma_wait3A_25 = arith.constant 0 : i32
      %dma_wait3A_26 = tpu.memref_slice %arg3[%arg0, %dma_wait3A, %dma_wait3A_24, %dma_wait3A_25] : memref<2x16x157x128xi32, #tpu.memory_space<hbm>> -> memref<1x16x157x128xi32, #tpu.memory_space<hbm>>
      %dma_wait3A_27 = tpu.memref_squeeze %dma_wait3A_26 : memref<1x16x157x128xi32, #tpu.memory_space<hbm>> -> memref<16x157x128xi32, #tpu.memory_space<hbm>>
      %dma_wait3A_28 = arith.constant 0 : i32
      %dma_wait3A_29 = arith.constant 0 : i32
      %dma_wait3A_30 = tpu.memref_slice %dma_wait3A_27[%arg1, %dma_wait3A_28, %dma_wait3A_29] : memref<16x157x128xi32, #tpu.memory_space<hbm>> -> memref<1x157x128xi32, #tpu.memory_space<hbm>>
      %dma_wait3A_31 = tpu.memref_squeeze %dma_wait3A_30 : memref<1x157x128xi32, #tpu.memory_space<hbm>> -> memref<157x128xi32, #tpu.memory_space<hbm>>
      %dma_wait3A_32 = arith.constant 0 : i32
      %dma_wait3A_33 = arith.constant 0 : i32
      %dma_wait3A_34 = arith.constant 0 : i32
      %dma_wait3A_35 = tpu.memref_slice %arg3[%arg0, %dma_wait3A_32, %dma_wait3A_33, %dma_wait3A_34] : memref<2x16x157x128xi32, #tpu.memory_space<hbm>> -> memref<1x16x157x128xi32, #tpu.memory_space<hbm>>
      %dma_wait3A_36 = tpu.memref_squeeze %dma_wait3A_35 : memref<1x16x157x128xi32, #tpu.memory_space<hbm>> -> memref<16x157x128xi32, #tpu.memory_space<hbm>>
      %dma_wait3A_37 = arith.constant 0 : i32
      %dma_wait3A_38 = arith.constant 0 : i32
      %dma_wait3A_39 = tpu.memref_slice %dma_wait3A_36[%arg1, %dma_wait3A_37, %dma_wait3A_38] : memref<16x157x128xi32, #tpu.memory_space<hbm>> -> memref<1x157x128xi32, #tpu.memory_space<hbm>>
      %dma_wait3A_40 = tpu.memref_squeeze %dma_wait3A_39 : memref<1x157x128xi32, #tpu.memory_space<hbm>> -> memref<157x128xi32, #tpu.memory_space<hbm>>
      tpu.wait_dma2 semaphore(%run_scoped3A : memref<!tpu.dma_semaphore, #tpu.memory_space<semaphore_mem>>) src(%dma_wait3A_40 : memref<157x128xi32, #tpu.memory_space<hbm>>) dst(%arg7 : memref<157x128xi32, #tpu.memory_space<vmem>>)
      tpu.yield
    }) : () -> ()
    "tpu.region"() ({
      %run_scoped3A = tpu.sem_alloc : memref<!tpu.dma_semaphore, #tpu.memory_space<semaphore_mem>>
      %dma_start3A = arith.constant 0 : i32
      %dma_start3A_7 = arith.constant 0 : i32
      %dma_start3A_8 = tpu.memref_slice %arg4[%arg1, %dma_start3A, %dma_start3A_7] : memref<16x157x128xi32, #tpu.memory_space<hbm>> -> memref<1x157x128xi32, #tpu.memory_space<hbm>>
      %dma_start3A_9 = tpu.memref_squeeze %dma_start3A_8 : memref<1x157x128xi32, #tpu.memory_space<hbm>> -> memref<157x128xi32, #tpu.memory_space<hbm>>
      %dma_start3A_10 = arith.constant 0 : i32
      %dma_start3A_11 = arith.constant 0 : i32
      %dma_start3A_12 = tpu.memref_slice %arg4[%arg1, %dma_start3A_10, %dma_start3A_11] : memref<16x157x128xi32, #tpu.memory_space<hbm>> -> memref<1x157x128xi32, #tpu.memory_space<hbm>>
      %dma_start3A_13 = tpu.memref_squeeze %dma_start3A_12 : memref<1x157x128xi32, #tpu.memory_space<hbm>> -> memref<157x128xi32, #tpu.memory_space<hbm>>
      tpu.enqueue_dma source(%dma_start3A_13 : memref<157x128xi32, #tpu.memory_space<hbm>>) target(%arg8 : memref<157x128xi32, #tpu.memory_space<vmem>>) target_semaphore(%run_scoped3A : memref<!tpu.dma_semaphore, #tpu.memory_space<semaphore_mem>>)
      %dma_wait3A = arith.constant 0 : i32
      %dma_wait3A_14 = arith.constant 0 : i32
      %dma_wait3A_15 = tpu.memref_slice %arg4[%arg1, %dma_wait3A, %dma_wait3A_14] : memref<16x157x128xi32, #tpu.memory_space<hbm>> -> memref<1x157x128xi32, #tpu.memory_space<hbm>>
      %dma_wait3A_16 = tpu.memref_squeeze %dma_wait3A_15 : memref<1x157x128xi32, #tpu.memory_space<hbm>> -> memref<157x128xi32, #tpu.memory_space<hbm>>
      %dma_wait3A_17 = arith.constant 0 : i32
      %dma_wait3A_18 = arith.constant 0 : i32
      %dma_wait3A_19 = tpu.memref_slice %arg4[%arg1, %dma_wait3A_17, %dma_wait3A_18] : memref<16x157x128xi32, #tpu.memory_space<hbm>> -> memref<1x157x128xi32, #tpu.memory_space<hbm>>
      %dma_wait3A_20 = tpu.memref_squeeze %dma_wait3A_19 : memref<1x157x128xi32, #tpu.memory_space<hbm>> -> memref<157x128xi32, #tpu.memory_space<hbm>>
      tpu.wait_dma2 semaphore(%run_scoped3A : memref<!tpu.dma_semaphore, #tpu.memory_space<semaphore_mem>>) src(%dma_wait3A_20 : memref<157x128xi32, #tpu.memory_space<hbm>>) dst(%arg8 : memref<157x128xi32, #tpu.memory_space<vmem>>)
      tpu.yield
    }) : () -> ()
    %barrier3A = arith.constant 0 : index
    tpu.barrier barrier_id(%barrier3A)
    %scan3A = arith.constant 0 : i32
    %scan3A_1 = arith.constant 0 : i32
    %scan3A_2 = arith.constant 157 : i32
    %scan3A_3 = arith.addi %scan3A_1, %scan3A_2 : i32
    %scan3A_4 = arith.constant 1 : i32
    scf.for %scan3A_7 = %scan3A_1 to %scan3A_3 step %scan3A_4  : i32 {
      %dma_start3A = arith.constant 0 : i32
      %dma_start3A_8 = arith.constant 0 : i32
      %dma_start3A_9 = arith.constant 0 : i32
      %dma_start3A_10 = tpu.memref_slice %arg9[%dma_start3A, %dma_start3A_8, %dma_start3A_9] : memref<1x128x64xf32, #tpu.memory_space<vmem>> -> memref<1x128x64xf32, #tpu.memory_space<vmem>>
      %dma_start3A_11 = tpu.memref_squeeze %dma_start3A_10 : memref<1x128x64xf32, #tpu.memory_space<vmem>> -> memref<128x64xf32, #tpu.memory_space<vmem>>
      %dma_start3A_12 = arith.constant 0 : i32
      %dma_start3A_13 = tpu.memref_slice %arg7[%scan3A_7, %dma_start3A_12] : memref<157x128xi32, #tpu.memory_space<vmem>> -> memref<1x128xi32, #tpu.memory_space<vmem>>
      %dma_start3A_14 = tpu.memref_squeeze %dma_start3A_13 : memref<1x128xi32, #tpu.memory_space<vmem>> -> memref<128xi32, #tpu.memory_space<vmem>>
      %dma_start3A_15 = arith.constant 0 : i32
      %dma_start3A_16 = arith.constant 0 : i32
      %dma_start3A_17 = tpu.memref_slice %arg2[%dma_start3A_15, %dma_start3A_16] : memref<20000x64xf32, #tpu.memory_space<hbm>> -> memref<20000x64xf32, #tpu.memory_space<hbm>>
      tpu.enqueue_indirect_dma source(%dma_start3A_17 : memref<20000x64xf32, #tpu.memory_space<hbm>>) target(%dma_start3A_11 : memref<128x64xf32, #tpu.memory_space<vmem>>) offsets(%dma_start3A_14 : memref<128xi32, #tpu.memory_space<vmem>>) semaphore(%arg11 : memref<!tpu.dma_semaphore, #tpu.memory_space<semaphore_mem>>)
      %dma_wait3A = arith.constant 0 : i32
      %dma_wait3A_18 = arith.constant 0 : i32
      %dma_wait3A_19 = arith.constant 0 : i32
      %dma_wait3A_20 = tpu.memref_slice %arg9[%dma_wait3A, %dma_wait3A_18, %dma_wait3A_19] : memref<1x128x64xf32, #tpu.memory_space<vmem>> -> memref<1x128x64xf32, #tpu.memory_space<vmem>>
      %dma_wait3A_21 = tpu.memref_squeeze %dma_wait3A_20 : memref<1x128x64xf32, #tpu.memory_space<vmem>> -> memref<128x64xf32, #tpu.memory_space<vmem>>
      %dma_wait3A_22 = arith.constant 0 : i32
      %dma_wait3A_23 = tpu.memref_slice %arg7[%scan3A_7, %dma_wait3A_22] : memref<157x128xi32, #tpu.memory_space<vmem>> -> memref<1x128xi32, #tpu.memory_space<vmem>>
      %dma_wait3A_24 = tpu.memref_squeeze %dma_wait3A_23 : memref<1x128xi32, #tpu.memory_space<vmem>> -> memref<128xi32, #tpu.memory_space<vmem>>
      %dma_wait3A_25 = arith.constant 0 : i32
      %dma_wait3A_26 = arith.constant 0 : i32
      %dma_wait3A_27 = tpu.memref_slice %arg2[%dma_wait3A_25, %dma_wait3A_26] : memref<20000x64xf32, #tpu.memory_space<hbm>> -> memref<20000x64xf32, #tpu.memory_space<hbm>>
      tpu.wait_indirect_dma semaphore(%arg11 : memref<!tpu.dma_semaphore, #tpu.memory_space<semaphore_mem>>) src(%dma_wait3A_27 : memref<20000x64xf32, #tpu.memory_space<hbm>>) dst(%dma_wait3A_21 : memref<128x64xf32, #tpu.memory_space<vmem>>)
      %run_scoped3A = arith.constant 0 : i32
      "tpu.region"() ({
        %run_scoped3A_28 = tpu.sem_alloc : memref<!tpu.dma_semaphore, #tpu.memory_space<semaphore_mem>>
        %dma_start3A_29 = arith.constant 0 : i32
        %dma_start3A_30 = arith.constant 0 : i32
        %dma_start3A_31 = tpu.memref_slice %arg9[%run_scoped3A, %dma_start3A_29, %dma_start3A_30] : memref<1x128x64xf32, #tpu.memory_space<vmem>> -> memref<1x128x64xf32, #tpu.memory_space<vmem>>
        %dma_start3A_32 = tpu.memref_squeeze %dma_start3A_31 : memref<1x128x64xf32, #tpu.memory_space<vmem>> -> memref<128x64xf32, #tpu.memory_space<vmem>>
        %dma_start3A_33 = arith.constant 0 : i32
        %dma_start3A_34 = tpu.memref_slice %arg8[%scan3A_7, %dma_start3A_33] : memref<157x128xi32, #tpu.memory_space<vmem>> -> memref<1x128xi32, #tpu.memory_space<vmem>>
        %dma_start3A_35 = tpu.memref_squeeze %dma_start3A_34 : memref<1x128xi32, #tpu.memory_space<vmem>> -> memref<128xi32, #tpu.memory_space<vmem>>
        %dma_start3A_36 = arith.constant 0 : i32
        %dma_start3A_37 = arith.constant 0 : i32
        %dma_start3A_38 = tpu.memref_slice %arg10[%dma_start3A_36, %dma_start3A_37] : memref<20096x64xf32, #tpu.memory_space<vmem_shared>> -> memref<20096x64xf32, #tpu.memory_space<vmem_shared>>
        tpu.enqueue_indirect_dma source(%dma_start3A_32 : memref<128x64xf32, #tpu.memory_space<vmem>>) target(%dma_start3A_38 : memref<20096x64xf32, #tpu.memory_space<vmem_shared>>) offsets(%dma_start3A_35 : memref<128xi32, #tpu.memory_space<vmem>>) semaphore(%run_scoped3A_28 : memref<!tpu.dma_semaphore, #tpu.memory_space<semaphore_mem>>) {add = true}
        %dma_wait3A_39 = arith.constant 0 : i32
        %dma_wait3A_40 = arith.constant 0 : i32
        %dma_wait3A_41 = tpu.memref_slice %arg9[%run_scoped3A, %dma_wait3A_39, %dma_wait3A_40] : memref<1x128x64xf32, #tpu.memory_space<vmem>> -> memref<1x128x64xf32, #tpu.memory_space<vmem>>
        %dma_wait3A_42 = tpu.memref_squeeze %dma_wait3A_41 : memref<1x128x64xf32, #tpu.memory_space<vmem>> -> memref<128x64xf32, #tpu.memory_space<vmem>>
        %dma_wait3A_43 = arith.constant 0 : i32
        %dma_wait3A_44 = tpu.memref_slice %arg8[%scan3A_7, %dma_wait3A_43] : memref<157x128xi32, #tpu.memory_space<vmem>> -> memref<1x128xi32, #tpu.memory_space<vmem>>
        %dma_wait3A_45 = tpu.memref_squeeze %dma_wait3A_44 : memref<1x128xi32, #tpu.memory_space<vmem>> -> memref<128xi32, #tpu.memory_space<vmem>>
        %dma_wait3A_46 = arith.constant 0 : i32
        %dma_wait3A_47 = arith.constant 0 : i32
        %dma_wait3A_48 = tpu.memref_slice %arg10[%dma_wait3A_46, %dma_wait3A_47] : memref<20096x64xf32, #tpu.memory_space<vmem_shared>> -> memref<20096x64xf32, #tpu.memory_space<vmem_shared>>
        tpu.wait_indirect_dma semaphore(%run_scoped3A_28 : memref<!tpu.dma_semaphore, #tpu.memory_space<semaphore_mem>>) src(%dma_wait3A_42 : memref<128x64xf32, #tpu.memory_space<vmem>>) dst(%dma_wait3A_48 : memref<20096x64xf32, #tpu.memory_space<vmem_shared>>)
        tpu.yield
      }) : () -> ()
    }
    %scan3A_5 = arith.constant 157 : i32
    %barrier3A_6 = arith.constant 0 : index
    tpu.barrier barrier_id(%barrier3A_6)
    "tpu.region"() ({
      %run_scoped3A = tpu.sem_alloc : memref<!tpu.dma_semaphore, #tpu.memory_space<semaphore_mem>>
      %dma_start3A = arith.constant 0 : i32
      %dma_start3A_7 = arith.constant 0 : i32
      %dma_start3A_8 = tpu.memref_slice %arg6[%arg0, %dma_start3A, %dma_start3A_7] : memref<2x20096x64xf32, #tpu.memory_space<hbm>> -> memref<1x20096x64xf32, #tpu.memory_space<hbm>>
      %dma_start3A_9 = tpu.memref_squeeze %dma_start3A_8 : memref<1x20096x64xf32, #tpu.memory_space<hbm>> -> memref<20096x64xf32, #tpu.memory_space<hbm>>
      %dma_start3A_10 = arith.constant 0 : i32
      %dma_start3A_11 = tpu.memref_slice %dma_start3A_9[%mul3A_0, %dma_start3A_10] : memref<20096x64xf32, #tpu.memory_space<hbm>> -> memref<1256x64xf32, #tpu.memory_space<hbm>>
      %dma_start3A_12 = arith.constant 0 : i32
      %dma_start3A_13 = tpu.memref_slice %arg10[%mul3A_0, %dma_start3A_12] : memref<20096x64xf32, #tpu.memory_space<vmem_shared>> -> memref<1256x64xf32, #tpu.memory_space<vmem_shared>>
      tpu.enqueue_dma source(%dma_start3A_13 : memref<1256x64xf32, #tpu.memory_space<vmem_shared>>) target(%dma_start3A_11 : memref<1256x64xf32, #tpu.memory_space<hbm>>) target_semaphore(%run_scoped3A : memref<!tpu.dma_semaphore, #tpu.memory_space<semaphore_mem>>)
      %dma_wait3A = arith.constant 0 : i32
      %dma_wait3A_14 = arith.constant 0 : i32
      %dma_wait3A_15 = tpu.memref_slice %arg6[%arg0, %dma_wait3A, %dma_wait3A_14] : memref<2x20096x64xf32, #tpu.memory_space<hbm>> -> memref<1x20096x64xf32, #tpu.memory_space<hbm>>
      %dma_wait3A_16 = tpu.memref_squeeze %dma_wait3A_15 : memref<1x20096x64xf32, #tpu.memory_space<hbm>> -> memref<20096x64xf32, #tpu.memory_space<hbm>>
      %dma_wait3A_17 = arith.constant 0 : i32
      %dma_wait3A_18 = tpu.memref_slice %dma_wait3A_16[%mul3A_0, %dma_wait3A_17] : memref<20096x64xf32, #tpu.memory_space<hbm>> -> memref<1256x64xf32, #tpu.memory_space<hbm>>
      %dma_wait3A_19 = arith.constant 0 : i32
      %dma_wait3A_20 = tpu.memref_slice %arg10[%mul3A_0, %dma_wait3A_19] : memref<20096x64xf32, #tpu.memory_space<vmem_shared>> -> memref<1256x64xf32, #tpu.memory_space<vmem_shared>>
      tpu.wait_dma2 semaphore(%run_scoped3A : memref<!tpu.dma_semaphore, #tpu.memory_space<semaphore_mem>>) src(%dma_wait3A_20 : memref<1256x64xf32, #tpu.memory_space<vmem_shared>>) dst(%dma_wait3A_18 : memref<1256x64xf32, #tpu.memory_space<hbm>>)
      tpu.yield
    }) : () -> ()
    return
  }
}

#map = affine_map<(d0, d1) -> (0, 0, 0)>
#map1 = affine_map<(d0, d1) -> (0, 0)>
module attributes {stable_mosaic.version = 14 : i64} {
  func.func @rgcn_degree_count(%arg0: i32, %arg1: i32, %arg2: memref<16x157x128xi32, #tpu.memory_space<hbm>>, %arg3: memref<128x16xf32, #tpu.memory_space<hbm>>, %arg4: memref<1256x16xf32, #tpu.memory_space<hbm>>, %arg5: memref<2x20096x16xf32, #tpu.memory_space<hbm>>, %arg6: memref<157x128xi32, #tpu.memory_space<vmem>>, %arg7: memref<128x16xf32, #tpu.memory_space<vmem>>, %arg8: memref<20096x16xf32, #tpu.memory_space<vmem_shared>>) attributes {dimension_semantics = [#tpu.dimension_semantics<core_parallel>, #tpu.dimension_semantics<subcore_parallel>], iteration_bounds = array<i64: 2, 16>, scalar_prefetch = 0 : i64, scratch_operands = 3 : i64, tpu.core_type = #tpu.core_type<sc_vector_subcore>, window_params = [{transform_indices = #map}, {transform_indices = #map1}, {transform_indices = #map1}, {transform_indices = #map}]} {
    %mul3A = arith.constant 1256 : i32
    %mul3A_0 = arith.muli %arg1, %mul3A : i32
    "tpu.region"() ({
      %run_scoped3A = tpu.sem_alloc : memref<!tpu.dma_semaphore, #tpu.memory_space<semaphore_mem>>
      %dma_start3A = arith.constant 0 : i32
      %dma_start3A_7 = tpu.memref_slice %arg8[%mul3A_0, %dma_start3A] : memref<20096x16xf32, #tpu.memory_space<vmem_shared>> -> memref<1256x16xf32, #tpu.memory_space<vmem_shared>>
      tpu.enqueue_dma source(%arg4 : memref<1256x16xf32, #tpu.memory_space<hbm>>) target(%dma_start3A_7 : memref<1256x16xf32, #tpu.memory_space<vmem_shared>>) target_semaphore(%run_scoped3A : memref<!tpu.dma_semaphore, #tpu.memory_space<semaphore_mem>>)
      %dma_wait3A = arith.constant 0 : i32
      %dma_wait3A_8 = tpu.memref_slice %arg8[%mul3A_0, %dma_wait3A] : memref<20096x16xf32, #tpu.memory_space<vmem_shared>> -> memref<1256x16xf32, #tpu.memory_space<vmem_shared>>
      tpu.wait_dma2 semaphore(%run_scoped3A : memref<!tpu.dma_semaphore, #tpu.memory_space<semaphore_mem>>) src(%arg4 : memref<1256x16xf32, #tpu.memory_space<hbm>>) dst(%dma_wait3A_8 : memref<1256x16xf32, #tpu.memory_space<vmem_shared>>)
      tpu.yield
    }) : () -> ()
    "tpu.region"() ({
      %run_scoped3A = tpu.sem_alloc : memref<!tpu.dma_semaphore, #tpu.memory_space<semaphore_mem>>
      tpu.enqueue_dma source(%arg3 : memref<128x16xf32, #tpu.memory_space<hbm>>) target(%arg7 : memref<128x16xf32, #tpu.memory_space<vmem>>) target_semaphore(%run_scoped3A : memref<!tpu.dma_semaphore, #tpu.memory_space<semaphore_mem>>)
      tpu.wait_dma2 semaphore(%run_scoped3A : memref<!tpu.dma_semaphore, #tpu.memory_space<semaphore_mem>>) src(%arg3 : memref<128x16xf32, #tpu.memory_space<hbm>>) dst(%arg7 : memref<128x16xf32, #tpu.memory_space<vmem>>)
      tpu.yield
    }) : () -> ()
    "tpu.region"() ({
      %run_scoped3A = tpu.sem_alloc : memref<!tpu.dma_semaphore, #tpu.memory_space<semaphore_mem>>
      %dma_start3A = arith.constant 0 : i32
      %dma_start3A_7 = arith.constant 0 : i32
      %dma_start3A_8 = tpu.memref_slice %arg2[%arg1, %dma_start3A, %dma_start3A_7] : memref<16x157x128xi32, #tpu.memory_space<hbm>> -> memref<1x157x128xi32, #tpu.memory_space<hbm>>
      %dma_start3A_9 = tpu.memref_squeeze %dma_start3A_8 : memref<1x157x128xi32, #tpu.memory_space<hbm>> -> memref<157x128xi32, #tpu.memory_space<hbm>>
      %dma_start3A_10 = arith.constant 0 : i32
      %dma_start3A_11 = arith.constant 0 : i32
      %dma_start3A_12 = tpu.memref_slice %arg2[%arg1, %dma_start3A_10, %dma_start3A_11] : memref<16x157x128xi32, #tpu.memory_space<hbm>> -> memref<1x157x128xi32, #tpu.memory_space<hbm>>
      %dma_start3A_13 = tpu.memref_squeeze %dma_start3A_12 : memref<1x157x128xi32, #tpu.memory_space<hbm>> -> memref<157x128xi32, #tpu.memory_space<hbm>>
      tpu.enqueue_dma source(%dma_start3A_13 : memref<157x128xi32, #tpu.memory_space<hbm>>) target(%arg6 : memref<157x128xi32, #tpu.memory_space<vmem>>) target_semaphore(%run_scoped3A : memref<!tpu.dma_semaphore, #tpu.memory_space<semaphore_mem>>)
      %dma_wait3A = arith.constant 0 : i32
      %dma_wait3A_14 = arith.constant 0 : i32
      %dma_wait3A_15 = tpu.memref_slice %arg2[%arg1, %dma_wait3A, %dma_wait3A_14] : memref<16x157x128xi32, #tpu.memory_space<hbm>> -> memref<1x157x128xi32, #tpu.memory_space<hbm>>
      %dma_wait3A_16 = tpu.memref_squeeze %dma_wait3A_15 : memref<1x157x128xi32, #tpu.memory_space<hbm>> -> memref<157x128xi32, #tpu.memory_space<hbm>>
      %dma_wait3A_17 = arith.constant 0 : i32
      %dma_wait3A_18 = arith.constant 0 : i32
      %dma_wait3A_19 = tpu.memref_slice %arg2[%arg1, %dma_wait3A_17, %dma_wait3A_18] : memref<16x157x128xi32, #tpu.memory_space<hbm>> -> memref<1x157x128xi32, #tpu.memory_space<hbm>>
      %dma_wait3A_20 = tpu.memref_squeeze %dma_wait3A_19 : memref<1x157x128xi32, #tpu.memory_space<hbm>> -> memref<157x128xi32, #tpu.memory_space<hbm>>
      tpu.wait_dma2 semaphore(%run_scoped3A : memref<!tpu.dma_semaphore, #tpu.memory_space<semaphore_mem>>) src(%dma_wait3A_20 : memref<157x128xi32, #tpu.memory_space<hbm>>) dst(%arg6 : memref<157x128xi32, #tpu.memory_space<vmem>>)
      tpu.yield
    }) : () -> ()
    %barrier3A = arith.constant 0 : index
    tpu.barrier barrier_id(%barrier3A)
    %scan3A = arith.constant 0 : i32
    %scan3A_1 = arith.constant 0 : i32
    %scan3A_2 = arith.constant 157 : i32
    %scan3A_3 = arith.addi %scan3A_1, %scan3A_2 : i32
    %scan3A_4 = arith.constant 1 : i32
    scf.for %scan3A_7 = %scan3A_1 to %scan3A_3 step %scan3A_4  : i32 {
      "tpu.region"() ({
        %run_scoped3A = tpu.sem_alloc : memref<!tpu.dma_semaphore, #tpu.memory_space<semaphore_mem>>
        %dma_start3A = arith.constant 0 : i32
        %dma_start3A_8 = tpu.memref_slice %arg6[%scan3A_7, %dma_start3A] : memref<157x128xi32, #tpu.memory_space<vmem>> -> memref<1x128xi32, #tpu.memory_space<vmem>>
        %dma_start3A_9 = tpu.memref_squeeze %dma_start3A_8 : memref<1x128xi32, #tpu.memory_space<vmem>> -> memref<128xi32, #tpu.memory_space<vmem>>
        %dma_start3A_10 = arith.constant 0 : i32
        %dma_start3A_11 = arith.constant 0 : i32
        %dma_start3A_12 = tpu.memref_slice %arg8[%dma_start3A_10, %dma_start3A_11] : memref<20096x16xf32, #tpu.memory_space<vmem_shared>> -> memref<20096x16xf32, #tpu.memory_space<vmem_shared>>
        tpu.enqueue_indirect_dma source(%arg7 : memref<128x16xf32, #tpu.memory_space<vmem>>) target(%dma_start3A_12 : memref<20096x16xf32, #tpu.memory_space<vmem_shared>>) offsets(%dma_start3A_9 : memref<128xi32, #tpu.memory_space<vmem>>) semaphore(%run_scoped3A : memref<!tpu.dma_semaphore, #tpu.memory_space<semaphore_mem>>) {add = true}
        %dma_wait3A = arith.constant 0 : i32
        %dma_wait3A_13 = tpu.memref_slice %arg6[%scan3A_7, %dma_wait3A] : memref<157x128xi32, #tpu.memory_space<vmem>> -> memref<1x128xi32, #tpu.memory_space<vmem>>
        %dma_wait3A_14 = tpu.memref_squeeze %dma_wait3A_13 : memref<1x128xi32, #tpu.memory_space<vmem>> -> memref<128xi32, #tpu.memory_space<vmem>>
        %dma_wait3A_15 = arith.constant 0 : i32
        %dma_wait3A_16 = arith.constant 0 : i32
        %dma_wait3A_17 = tpu.memref_slice %arg8[%dma_wait3A_15, %dma_wait3A_16] : memref<20096x16xf32, #tpu.memory_space<vmem_shared>> -> memref<20096x16xf32, #tpu.memory_space<vmem_shared>>
        tpu.wait_indirect_dma semaphore(%run_scoped3A : memref<!tpu.dma_semaphore, #tpu.memory_space<semaphore_mem>>) src(%arg7 : memref<128x16xf32, #tpu.memory_space<vmem>>) dst(%dma_wait3A_17 : memref<20096x16xf32, #tpu.memory_space<vmem_shared>>)
        tpu.yield
      }) : () -> ()
    }
    %scan3A_5 = arith.constant 157 : i32
    %barrier3A_6 = arith.constant 0 : index
    tpu.barrier barrier_id(%barrier3A_6)
    "tpu.region"() ({
      %run_scoped3A = tpu.sem_alloc : memref<!tpu.dma_semaphore, #tpu.memory_space<semaphore_mem>>
      %dma_start3A = arith.constant 0 : i32
      %dma_start3A_7 = arith.constant 0 : i32
      %dma_start3A_8 = tpu.memref_slice %arg5[%arg0, %dma_start3A, %dma_start3A_7] : memref<2x20096x16xf32, #tpu.memory_space<hbm>> -> memref<1x20096x16xf32, #tpu.memory_space<hbm>>
      %dma_start3A_9 = tpu.memref_squeeze %dma_start3A_8 : memref<1x20096x16xf32, #tpu.memory_space<hbm>> -> memref<20096x16xf32, #tpu.memory_space<hbm>>
      %dma_start3A_10 = arith.constant 0 : i32
      %dma_start3A_11 = tpu.memref_slice %dma_start3A_9[%mul3A_0, %dma_start3A_10] : memref<20096x16xf32, #tpu.memory_space<hbm>> -> memref<1256x16xf32, #tpu.memory_space<hbm>>
      %dma_start3A_12 = arith.constant 0 : i32
      %dma_start3A_13 = tpu.memref_slice %arg8[%mul3A_0, %dma_start3A_12] : memref<20096x16xf32, #tpu.memory_space<vmem_shared>> -> memref<1256x16xf32, #tpu.memory_space<vmem_shared>>
      tpu.enqueue_dma source(%dma_start3A_13 : memref<1256x16xf32, #tpu.memory_space<vmem_shared>>) target(%dma_start3A_11 : memref<1256x16xf32, #tpu.memory_space<hbm>>) target_semaphore(%run_scoped3A : memref<!tpu.dma_semaphore, #tpu.memory_space<semaphore_mem>>)
      %dma_wait3A = arith.constant 0 : i32
      %dma_wait3A_14 = arith.constant 0 : i32
      %dma_wait3A_15 = tpu.memref_slice %arg5[%arg0, %dma_wait3A, %dma_wait3A_14] : memref<2x20096x16xf32, #tpu.memory_space<hbm>> -> memref<1x20096x16xf32, #tpu.memory_space<hbm>>
      %dma_wait3A_16 = tpu.memref_squeeze %dma_wait3A_15 : memref<1x20096x16xf32, #tpu.memory_space<hbm>> -> memref<20096x16xf32, #tpu.memory_space<hbm>>
      %dma_wait3A_17 = arith.constant 0 : i32
      %dma_wait3A_18 = tpu.memref_slice %dma_wait3A_16[%mul3A_0, %dma_wait3A_17] : memref<20096x16xf32, #tpu.memory_space<hbm>> -> memref<1256x16xf32, #tpu.memory_space<hbm>>
      %dma_wait3A_19 = arith.constant 0 : i32
      %dma_wait3A_20 = tpu.memref_slice %arg8[%mul3A_0, %dma_wait3A_19] : memref<20096x16xf32, #tpu.memory_space<vmem_shared>> -> memref<1256x16xf32, #tpu.memory_space<vmem_shared>>
      tpu.wait_dma2 semaphore(%run_scoped3A : memref<!tpu.dma_semaphore, #tpu.memory_space<semaphore_mem>>) src(%dma_wait3A_20 : memref<1256x16xf32, #tpu.memory_space<vmem_shared>>) dst(%dma_wait3A_18 : memref<1256x16xf32, #tpu.memory_space<hbm>>)
      tpu.yield
    }) : () -> ()
    return
  }
}

#map = affine_map<(d0, d1) -> (0, 0)>
#map1 = affine_map<(d0, d1) -> (0, 0, 0, 0)>
#map2 = affine_map<(d0, d1) -> (0, 0, 0)>
module attributes {stable_mosaic.version = 14 : i64} {
  func.func @rgcn_seg_accumulate(%arg0: i32, %arg1: i32, %arg2: memref<20000x64xf32, #tpu.memory_space<hbm>>, %arg3: memref<2x16x157x128xi32, #tpu.memory_space<hbm>>, %arg4: memref<16x157x128xi32, #tpu.memory_space<hbm>>, %arg5: memref<1256x64xf32, #tpu.memory_space<hbm>>, %arg6: memref<2x20096x64xf32, #tpu.memory_space<hbm>>, %arg7: memref<157x128xi32, #tpu.memory_space<vmem>>, %arg8: memref<157x128xi32, #tpu.memory_space<vmem>>, %arg9: memref<1x128x64xf32, #tpu.memory_space<vmem>>, %arg10: memref<20096x64xf32, #tpu.memory_space<vmem_shared>>, %arg11: memref<!tpu.dma_semaphore, #tpu.memory_space<semaphore_mem>>) attributes {dimension_semantics = [#tpu.dimension_semantics<core_parallel>, #tpu.dimension_semantics<subcore_parallel>], iteration_bounds = array<i64: 2, 16>, scalar_prefetch = 0 : i64, scratch_operands = 5 : i64, tpu.core_type = #tpu.core_type<sc_vector_subcore>, window_params = [{transform_indices = #map}, {transform_indices = #map1}, {transform_indices = #map2}, {transform_indices = #map}, {transform_indices = #map2}]} {
    %mul3A = arith.constant 1256 : i32
    %mul3A_0 = arith.muli %arg1, %mul3A : i32
    "tpu.region"() ({
      %run_scoped3A = tpu.sem_alloc : memref<!tpu.dma_semaphore, #tpu.memory_space<semaphore_mem>>
      %dma_start3A = arith.constant 0 : i32
      %dma_start3A_7 = tpu.memref_slice %arg10[%mul3A_0, %dma_start3A] : memref<20096x64xf32, #tpu.memory_space<vmem_shared>> -> memref<1256x64xf32, #tpu.memory_space<vmem_shared>>
      tpu.enqueue_dma source(%arg5 : memref<1256x64xf32, #tpu.memory_space<hbm>>) target(%dma_start3A_7 : memref<1256x64xf32, #tpu.memory_space<vmem_shared>>) target_semaphore(%run_scoped3A : memref<!tpu.dma_semaphore, #tpu.memory_space<semaphore_mem>>)
      %dma_wait3A = arith.constant 0 : i32
      %dma_wait3A_8 = tpu.memref_slice %arg10[%mul3A_0, %dma_wait3A] : memref<20096x64xf32, #tpu.memory_space<vmem_shared>> -> memref<1256x64xf32, #tpu.memory_space<vmem_shared>>
      tpu.wait_dma2 semaphore(%run_scoped3A : memref<!tpu.dma_semaphore, #tpu.memory_space<semaphore_mem>>) src(%arg5 : memref<1256x64xf32, #tpu.memory_space<hbm>>) dst(%dma_wait3A_8 : memref<1256x64xf32, #tpu.memory_space<vmem_shared>>)
      tpu.yield
    }) : () -> ()
    "tpu.region"() ({
      %run_scoped3A = tpu.sem_alloc : memref<!tpu.dma_semaphore, #tpu.memory_space<semaphore_mem>>
      %dma_start3A = arith.constant 0 : i32
      %dma_start3A_7 = arith.constant 0 : i32
      %dma_start3A_8 = arith.constant 0 : i32
      %dma_start3A_9 = tpu.memref_slice %arg3[%arg0, %dma_start3A, %dma_start3A_7, %dma_start3A_8] : memref<2x16x157x128xi32, #tpu.memory_space<hbm>> -> memref<1x16x157x128xi32, #tpu.memory_space<hbm>>
      %dma_start3A_10 = tpu.memref_squeeze %dma_start3A_9 : memref<1x16x157x128xi32, #tpu.memory_space<hbm>> -> memref<16x157x128xi32, #tpu.memory_space<hbm>>
      %dma_start3A_11 = arith.constant 0 : i32
      %dma_start3A_12 = arith.constant 0 : i32
      %dma_start3A_13 = tpu.memref_slice %dma_start3A_10[%arg1, %dma_start3A_11, %dma_start3A_12] : memref<16x157x128xi32, #tpu.memory_space<hbm>> -> memref<1x157x128xi32, #tpu.memory_space<hbm>>
      %dma_start3A_14 = tpu.memref_squeeze %dma_start3A_13 : memref<1x157x128xi32, #tpu.memory_space<hbm>> -> memref<157x128xi32, #tpu.memory_space<hbm>>
      %dma_start3A_15 = arith.constant 0 : i32
      %dma_start3A_16 = arith.constant 0 : i32
      %dma_start3A_17 = arith.constant 0 : i32
      %dma_start3A_18 = tpu.memref_slice %arg3[%arg0, %dma_start3A_15, %dma_start3A_16, %dma_start3A_17] : memref<2x16x157x128xi32, #tpu.memory_space<hbm>> -> memref<1x16x157x128xi32, #tpu.memory_space<hbm>>
      %dma_start3A_19 = tpu.memref_squeeze %dma_start3A_18 : memref<1x16x157x128xi32, #tpu.memory_space<hbm>> -> memref<16x157x128xi32, #tpu.memory_space<hbm>>
      %dma_start3A_20 = arith.constant 0 : i32
      %dma_start3A_21 = arith.constant 0 : i32
      %dma_start3A_22 = tpu.memref_slice %dma_start3A_19[%arg1, %dma_start3A_20, %dma_start3A_21] : memref<16x157x128xi32, #tpu.memory_space<hbm>> -> memref<1x157x128xi32, #tpu.memory_space<hbm>>
      %dma_start3A_23 = tpu.memref_squeeze %dma_start3A_22 : memref<1x157x128xi32, #tpu.memory_space<hbm>> -> memref<157x128xi32, #tpu.memory_space<hbm>>
      tpu.enqueue_dma source(%dma_start3A_23 : memref<157x128xi32, #tpu.memory_space<hbm>>) target(%arg7 : memref<157x128xi32, #tpu.memory_space<vmem>>) target_semaphore(%run_scoped3A : memref<!tpu.dma_semaphore, #tpu.memory_space<semaphore_mem>>)
      %dma_wait3A = arith.constant 0 : i32
      %dma_wait3A_24 = arith.constant 0 : i32
      %dma_wait3A_25 = arith.constant 0 : i32
      %dma_wait3A_26 = tpu.memref_slice %arg3[%arg0, %dma_wait3A, %dma_wait3A_24, %dma_wait3A_25] : memref<2x16x157x128xi32, #tpu.memory_space<hbm>> -> memref<1x16x157x128xi32, #tpu.memory_space<hbm>>
      %dma_wait3A_27 = tpu.memref_squeeze %dma_wait3A_26 : memref<1x16x157x128xi32, #tpu.memory_space<hbm>> -> memref<16x157x128xi32, #tpu.memory_space<hbm>>
      %dma_wait3A_28 = arith.constant 0 : i32
      %dma_wait3A_29 = arith.constant 0 : i32
      %dma_wait3A_30 = tpu.memref_slice %dma_wait3A_27[%arg1, %dma_wait3A_28, %dma_wait3A_29] : memref<16x157x128xi32, #tpu.memory_space<hbm>> -> memref<1x157x128xi32, #tpu.memory_space<hbm>>
      %dma_wait3A_31 = tpu.memref_squeeze %dma_wait3A_30 : memref<1x157x128xi32, #tpu.memory_space<hbm>> -> memref<157x128xi32, #tpu.memory_space<hbm>>
      %dma_wait3A_32 = arith.constant 0 : i32
      %dma_wait3A_33 = arith.constant 0 : i32
      %dma_wait3A_34 = arith.constant 0 : i32
      %dma_wait3A_35 = tpu.memref_slice %arg3[%arg0, %dma_wait3A_32, %dma_wait3A_33, %dma_wait3A_34] : memref<2x16x157x128xi32, #tpu.memory_space<hbm>> -> memref<1x16x157x128xi32, #tpu.memory_space<hbm>>
      %dma_wait3A_36 = tpu.memref_squeeze %dma_wait3A_35 : memref<1x16x157x128xi32, #tpu.memory_space<hbm>> -> memref<16x157x128xi32, #tpu.memory_space<hbm>>
      %dma_wait3A_37 = arith.constant 0 : i32
      %dma_wait3A_38 = arith.constant 0 : i32
      %dma_wait3A_39 = tpu.memref_slice %dma_wait3A_36[%arg1, %dma_wait3A_37, %dma_wait3A_38] : memref<16x157x128xi32, #tpu.memory_space<hbm>> -> memref<1x157x128xi32, #tpu.memory_space<hbm>>
      %dma_wait3A_40 = tpu.memref_squeeze %dma_wait3A_39 : memref<1x157x128xi32, #tpu.memory_space<hbm>> -> memref<157x128xi32, #tpu.memory_space<hbm>>
      tpu.wait_dma2 semaphore(%run_scoped3A : memref<!tpu.dma_semaphore, #tpu.memory_space<semaphore_mem>>) src(%dma_wait3A_40 : memref<157x128xi32, #tpu.memory_space<hbm>>) dst(%arg7 : memref<157x128xi32, #tpu.memory_space<vmem>>)
      tpu.yield
    }) : () -> ()
    "tpu.region"() ({
      %run_scoped3A = tpu.sem_alloc : memref<!tpu.dma_semaphore, #tpu.memory_space<semaphore_mem>>
      %dma_start3A = arith.constant 0 : i32
      %dma_start3A_7 = arith.constant 0 : i32
      %dma_start3A_8 = tpu.memref_slice %arg4[%arg1, %dma_start3A, %dma_start3A_7] : memref<16x157x128xi32, #tpu.memory_space<hbm>> -> memref<1x157x128xi32, #tpu.memory_space<hbm>>
      %dma_start3A_9 = tpu.memref_squeeze %dma_start3A_8 : memref<1x157x128xi32, #tpu.memory_space<hbm>> -> memref<157x128xi32, #tpu.memory_space<hbm>>
      %dma_start3A_10 = arith.constant 0 : i32
      %dma_start3A_11 = arith.constant 0 : i32
      %dma_start3A_12 = tpu.memref_slice %arg4[%arg1, %dma_start3A_10, %dma_start3A_11] : memref<16x157x128xi32, #tpu.memory_space<hbm>> -> memref<1x157x128xi32, #tpu.memory_space<hbm>>
      %dma_start3A_13 = tpu.memref_squeeze %dma_start3A_12 : memref<1x157x128xi32, #tpu.memory_space<hbm>> -> memref<157x128xi32, #tpu.memory_space<hbm>>
      tpu.enqueue_dma source(%dma_start3A_13 : memref<157x128xi32, #tpu.memory_space<hbm>>) target(%arg8 : memref<157x128xi32, #tpu.memory_space<vmem>>) target_semaphore(%run_scoped3A : memref<!tpu.dma_semaphore, #tpu.memory_space<semaphore_mem>>)
      %dma_wait3A = arith.constant 0 : i32
      %dma_wait3A_14 = arith.constant 0 : i32
      %dma_wait3A_15 = tpu.memref_slice %arg4[%arg1, %dma_wait3A, %dma_wait3A_14] : memref<16x157x128xi32, #tpu.memory_space<hbm>> -> memref<1x157x128xi32, #tpu.memory_space<hbm>>
      %dma_wait3A_16 = tpu.memref_squeeze %dma_wait3A_15 : memref<1x157x128xi32, #tpu.memory_space<hbm>> -> memref<157x128xi32, #tpu.memory_space<hbm>>
      %dma_wait3A_17 = arith.constant 0 : i32
      %dma_wait3A_18 = arith.constant 0 : i32
      %dma_wait3A_19 = tpu.memref_slice %arg4[%arg1, %dma_wait3A_17, %dma_wait3A_18] : memref<16x157x128xi32, #tpu.memory_space<hbm>> -> memref<1x157x128xi32, #tpu.memory_space<hbm>>
      %dma_wait3A_20 = tpu.memref_squeeze %dma_wait3A_19 : memref<1x157x128xi32, #tpu.memory_space<hbm>> -> memref<157x128xi32, #tpu.memory_space<hbm>>
      tpu.wait_dma2 semaphore(%run_scoped3A : memref<!tpu.dma_semaphore, #tpu.memory_space<semaphore_mem>>) src(%dma_wait3A_20 : memref<157x128xi32, #tpu.memory_space<hbm>>) dst(%arg8 : memref<157x128xi32, #tpu.memory_space<vmem>>)
      tpu.yield
    }) : () -> ()
    %barrier3A = arith.constant 0 : index
    tpu.barrier barrier_id(%barrier3A)
    %scan3A = arith.constant 0 : i32
    %scan3A_1 = arith.constant 0 : i32
    %scan3A_2 = arith.constant 157 : i32
    %scan3A_3 = arith.addi %scan3A_1, %scan3A_2 : i32
    %scan3A_4 = arith.constant 1 : i32
    scf.for %scan3A_7 = %scan3A_1 to %scan3A_3 step %scan3A_4  : i32 {
      %dma_start3A = arith.constant 0 : i32
      %dma_start3A_8 = arith.constant 0 : i32
      %dma_start3A_9 = arith.constant 0 : i32
      %dma_start3A_10 = tpu.memref_slice %arg9[%dma_start3A, %dma_start3A_8, %dma_start3A_9] : memref<1x128x64xf32, #tpu.memory_space<vmem>> -> memref<1x128x64xf32, #tpu.memory_space<vmem>>
      %dma_start3A_11 = tpu.memref_squeeze %dma_start3A_10 : memref<1x128x64xf32, #tpu.memory_space<vmem>> -> memref<128x64xf32, #tpu.memory_space<vmem>>
      %dma_start3A_12 = arith.constant 0 : i32
      %dma_start3A_13 = tpu.memref_slice %arg7[%scan3A_7, %dma_start3A_12] : memref<157x128xi32, #tpu.memory_space<vmem>> -> memref<1x128xi32, #tpu.memory_space<vmem>>
      %dma_start3A_14 = tpu.memref_squeeze %dma_start3A_13 : memref<1x128xi32, #tpu.memory_space<vmem>> -> memref<128xi32, #tpu.memory_space<vmem>>
      %dma_start3A_15 = arith.constant 0 : i32
      %dma_start3A_16 = arith.constant 0 : i32
      %dma_start3A_17 = tpu.memref_slice %arg2[%dma_start3A_15, %dma_start3A_16] : memref<20000x64xf32, #tpu.memory_space<hbm>> -> memref<20000x64xf32, #tpu.memory_space<hbm>>
      tpu.enqueue_indirect_dma source(%dma_start3A_17 : memref<20000x64xf32, #tpu.memory_space<hbm>>) target(%dma_start3A_11 : memref<128x64xf32, #tpu.memory_space<vmem>>) offsets(%dma_start3A_14 : memref<128xi32, #tpu.memory_space<vmem>>) semaphore(%arg11 : memref<!tpu.dma_semaphore, #tpu.memory_space<semaphore_mem>>)
      %dma_wait3A = arith.constant 0 : i32
      %dma_wait3A_18 = arith.constant 0 : i32
      %dma_wait3A_19 = arith.constant 0 : i32
      %dma_wait3A_20 = tpu.memref_slice %arg9[%dma_wait3A, %dma_wait3A_18, %dma_wait3A_19] : memref<1x128x64xf32, #tpu.memory_space<vmem>> -> memref<1x128x64xf32, #tpu.memory_space<vmem>>
      %dma_wait3A_21 = tpu.memref_squeeze %dma_wait3A_20 : memref<1x128x64xf32, #tpu.memory_space<vmem>> -> memref<128x64xf32, #tpu.memory_space<vmem>>
      %dma_wait3A_22 = arith.constant 0 : i32
      %dma_wait3A_23 = tpu.memref_slice %arg7[%scan3A_7, %dma_wait3A_22] : memref<157x128xi32, #tpu.memory_space<vmem>> -> memref<1x128xi32, #tpu.memory_space<vmem>>
      %dma_wait3A_24 = tpu.memref_squeeze %dma_wait3A_23 : memref<1x128xi32, #tpu.memory_space<vmem>> -> memref<128xi32, #tpu.memory_space<vmem>>
      %dma_wait3A_25 = arith.constant 0 : i32
      %dma_wait3A_26 = arith.constant 0 : i32
      %dma_wait3A_27 = tpu.memref_slice %arg2[%dma_wait3A_25, %dma_wait3A_26] : memref<20000x64xf32, #tpu.memory_space<hbm>> -> memref<20000x64xf32, #tpu.memory_space<hbm>>
      tpu.wait_indirect_dma semaphore(%arg11 : memref<!tpu.dma_semaphore, #tpu.memory_space<semaphore_mem>>) src(%dma_wait3A_27 : memref<20000x64xf32, #tpu.memory_space<hbm>>) dst(%dma_wait3A_21 : memref<128x64xf32, #tpu.memory_space<vmem>>)
      %run_scoped3A = arith.constant 0 : i32
      "tpu.region"() ({
        %run_scoped3A_28 = tpu.sem_alloc : memref<!tpu.dma_semaphore, #tpu.memory_space<semaphore_mem>>
        %dma_start3A_29 = arith.constant 0 : i32
        %dma_start3A_30 = arith.constant 0 : i32
        %dma_start3A_31 = tpu.memref_slice %arg9[%run_scoped3A, %dma_start3A_29, %dma_start3A_30] : memref<1x128x64xf32, #tpu.memory_space<vmem>> -> memref<1x128x64xf32, #tpu.memory_space<vmem>>
        %dma_start3A_32 = tpu.memref_squeeze %dma_start3A_31 : memref<1x128x64xf32, #tpu.memory_space<vmem>> -> memref<128x64xf32, #tpu.memory_space<vmem>>
        %dma_start3A_33 = arith.constant 0 : i32
        %dma_start3A_34 = tpu.memref_slice %arg8[%scan3A_7, %dma_start3A_33] : memref<157x128xi32, #tpu.memory_space<vmem>> -> memref<1x128xi32, #tpu.memory_space<vmem>>
        %dma_start3A_35 = tpu.memref_squeeze %dma_start3A_34 : memref<1x128xi32, #tpu.memory_space<vmem>> -> memref<128xi32, #tpu.memory_space<vmem>>
        %dma_start3A_36 = arith.constant 0 : i32
        %dma_start3A_37 = arith.constant 0 : i32
        %dma_start3A_38 = tpu.memref_slice %arg10[%dma_start3A_36, %dma_start3A_37] : memref<20096x64xf32, #tpu.memory_space<vmem_shared>> -> memref<20096x64xf32, #tpu.memory_space<vmem_shared>>
        tpu.enqueue_indirect_dma source(%dma_start3A_32 : memref<128x64xf32, #tpu.memory_space<vmem>>) target(%dma_start3A_38 : memref<20096x64xf32, #tpu.memory_space<vmem_shared>>) offsets(%dma_start3A_35 : memref<128xi32, #tpu.memory_space<vmem>>) semaphore(%run_scoped3A_28 : memref<!tpu.dma_semaphore, #tpu.memory_space<semaphore_mem>>) {add = true}
        %dma_wait3A_39 = arith.constant 0 : i32
        %dma_wait3A_40 = arith.constant 0 : i32
        %dma_wait3A_41 = tpu.memref_slice %arg9[%run_scoped3A, %dma_wait3A_39, %dma_wait3A_40] : memref<1x128x64xf32, #tpu.memory_space<vmem>> -> memref<1x128x64xf32, #tpu.memory_space<vmem>>
        %dma_wait3A_42 = tpu.memref_squeeze %dma_wait3A_41 : memref<1x128x64xf32, #tpu.memory_space<vmem>> -> memref<128x64xf32, #tpu.memory_space<vmem>>
        %dma_wait3A_43 = arith.constant 0 : i32
        %dma_wait3A_44 = tpu.memref_slice %arg8[%scan3A_7, %dma_wait3A_43] : memref<157x128xi32, #tpu.memory_space<vmem>> -> memref<1x128xi32, #tpu.memory_space<vmem>>
        %dma_wait3A_45 = tpu.memref_squeeze %dma_wait3A_44 : memref<1x128xi32, #tpu.memory_space<vmem>> -> memref<128xi32, #tpu.memory_space<vmem>>
        %dma_wait3A_46 = arith.constant 0 : i32
        %dma_wait3A_47 = arith.constant 0 : i32
        %dma_wait3A_48 = tpu.memref_slice %arg10[%dma_wait3A_46, %dma_wait3A_47] : memref<20096x64xf32, #tpu.memory_space<vmem_shared>> -> memref<20096x64xf32, #tpu.memory_space<vmem_shared>>
        tpu.wait_indirect_dma semaphore(%run_scoped3A_28 : memref<!tpu.dma_semaphore, #tpu.memory_space<semaphore_mem>>) src(%dma_wait3A_42 : memref<128x64xf32, #tpu.memory_space<vmem>>) dst(%dma_wait3A_48 : memref<20096x64xf32, #tpu.memory_space<vmem_shared>>)
        tpu.yield
      }) : () -> ()
    }
    %scan3A_5 = arith.constant 157 : i32
    %barrier3A_6 = arith.constant 0 : index
    tpu.barrier barrier_id(%barrier3A_6)
    "tpu.region"() ({
      %run_scoped3A = tpu.sem_alloc : memref<!tpu.dma_semaphore, #tpu.memory_space<semaphore_mem>>
      %dma_start3A = arith.constant 0 : i32
      %dma_start3A_7 = arith.constant 0 : i32
      %dma_start3A_8 = tpu.memref_slice %arg6[%arg0, %dma_start3A, %dma_start3A_7] : memref<2x20096x64xf32, #tpu.memory_space<hbm>> -> memref<1x20096x64xf32, #tpu.memory_space<hbm>>
      %dma_start3A_9 = tpu.memref_squeeze %dma_start3A_8 : memref<1x20096x64xf32, #tpu.memory_space<hbm>> -> memref<20096x64xf32, #tpu.memory_space<hbm>>
      %dma_start3A_10 = arith.constant 0 : i32
      %dma_start3A_11 = tpu.memref_slice %dma_start3A_9[%mul3A_0, %dma_start3A_10] : memref<20096x64xf32, #tpu.memory_space<hbm>> -> memref<1256x64xf32, #tpu.memory_space<hbm>>
      %dma_start3A_12 = arith.constant 0 : i32
      %dma_start3A_13 = tpu.memref_slice %arg10[%mul3A_0, %dma_start3A_12] : memref<20096x64xf32, #tpu.memory_space<vmem_shared>> -> memref<1256x64xf32, #tpu.memory_space<vmem_shared>>
      tpu.enqueue_dma source(%dma_start3A_13 : memref<1256x64xf32, #tpu.memory_space<vmem_shared>>) target(%dma_start3A_11 : memref<1256x64xf32, #tpu.memory_space<hbm>>) target_semaphore(%run_scoped3A : memref<!tpu.dma_semaphore, #tpu.memory_space<semaphore_mem>>)
      %dma_wait3A = arith.constant 0 : i32
      %dma_wait3A_14 = arith.constant 0 : i32
      %dma_wait3A_15 = tpu.memref_slice %arg6[%arg0, %dma_wait3A, %dma_wait3A_14] : memref<2x20096x64xf32, #tpu.memory_space<hbm>> -> memref<1x20096x64xf32, #tpu.memory_space<hbm>>
      %dma_wait3A_16 = tpu.memref_squeeze %dma_wait3A_15 : memref<1x20096x64xf32, #tpu.memory_space<hbm>> -> memref<20096x64xf32, #tpu.memory_space<hbm>>
      %dma_wait3A_17 = arith.constant 0 : i32
      %dma_wait3A_18 = tpu.memref_slice %dma_wait3A_16[%mul3A_0, %dma_wait3A_17] : memref<20096x64xf32, #tpu.memory_space<hbm>> -> memref<1256x64xf32, #tpu.memory_space<hbm>>
      %dma_wait3A_19 = arith.constant 0 : i32
      %dma_wait3A_20 = tpu.memref_slice %arg10[%mul3A_0, %dma_wait3A_19] : memref<20096x64xf32, #tpu.memory_space<vmem_shared>> -> memref<1256x64xf32, #tpu.memory_space<vmem_shared>>
      tpu.wait_dma2 semaphore(%run_scoped3A : memref<!tpu.dma_semaphore, #tpu.memory_space<semaphore_mem>>) src(%dma_wait3A_20 : memref<1256x64xf32, #tpu.memory_space<vmem_shared>>) dst(%dma_wait3A_18 : memref<1256x64xf32, #tpu.memory_space<hbm>>)
      tpu.yield
    }) : () -> ()
    return
  }
}

module attributes {stable_mosaic.version = 14 : i64} {
  func.func @_idx_body(%arg0: i32, %arg1: memref<2512x128xi32, #tpu.memory_space<vmem>>, %arg2: memref<2512x128xi32, #tpu.memory_space<vmem>>, %arg3: memref<2512x128xi32, #tpu.memory_space<vmem>>, %arg4: memref<2512x128xi32, #tpu.memory_space<vmem>>, %arg5: memref<2512x128xi32, #tpu.memory_space<vmem>>, %arg6: memref<2512x128xi32, #tpu.memory_space<vmem>>) attributes {dimension_semantics = [#tpu.dimension_semantics<arbitrary>], iteration_bounds = array<i64: 1>, scalar_prefetch = 0 : i64, scratch_operands = 0 : i64, tpu.core_type = #tpu.core_type<tc>, window_params = [{pipeline_mode = #tpu.pipeline_mode<synchronous>, transform_indices = @transform_0, window_bounds = array<i64: 2512, 128>}, {pipeline_mode = #tpu.pipeline_mode<synchronous>, transform_indices = @transform_1, window_bounds = array<i64: 2512, 128>}, {pipeline_mode = #tpu.pipeline_mode<synchronous>, transform_indices = @transform_2, window_bounds = array<i64: 2512, 128>}, {pipeline_mode = #tpu.pipeline_mode<synchronous>, transform_indices = @transform_3, window_bounds = array<i64: 2512, 128>}, {pipeline_mode = #tpu.pipeline_mode<synchronous>, transform_indices = @transform_4, window_bounds = array<i64: 2512, 128>}, {pipeline_mode = #tpu.pipeline_mode<synchronous>, transform_indices = @transform_5, window_bounds = array<i64: 2512, 128>}]} {
    %get3A = arith.constant 0 : index
    %get3A_0 = arith.constant 0 : index
    %get3A_1 = vector.load %arg1[%get3A, %get3A_0] : memref<2512x128xi32, #tpu.memory_space<vmem>>, vector<2512x128xi32>
    %mul3A = arith.constant 2 : i32
    %mul3A_2 = vector.broadcast %mul3A : i32 to vector<2512x128xi32>
    %mul3A_3 = arith.muli %get3A_1, %mul3A_2 : vector<2512x128xi32>
    %swap3A = arith.constant 0 : index
    %swap3A_4 = arith.constant 0 : index
    %swap3A_5 = vector.load %arg4[%swap3A, %swap3A_4] : memref<2512x128xi32, #tpu.memory_space<vmem>>, vector<2512x128xi32>
    tpu.vector_store %arg4[%swap3A, %swap3A_4], %mul3A_3 {strides = array<i32>} : memref<2512x128xi32, #tpu.memory_space<vmem>>, vector<2512x128xi32>,
    %mul3A_6 = arith.constant 2 : i32
    %mul3A_7 = vector.broadcast %mul3A_6 : i32 to vector<2512x128xi32>
    %mul3A_8 = arith.muli %get3A_1, %mul3A_7 : vector<2512x128xi32>
    %add3A = arith.constant 1 : i32
    %add3A_9 = vector.broadcast %add3A : i32 to vector<2512x128xi32>
    %add3A_10 = arith.addi %mul3A_8, %add3A_9 : vector<2512x128xi32>
    %swap3A_11 = arith.constant 0 : index
    %swap3A_12 = arith.constant 0 : index
    %swap3A_13 = vector.load %arg5[%swap3A_11, %swap3A_12] : memref<2512x128xi32, #tpu.memory_space<vmem>>, vector<2512x128xi32>
    tpu.vector_store %arg5[%swap3A_11, %swap3A_12], %add3A_10 {strides = array<i32>} : memref<2512x128xi32, #tpu.memory_space<vmem>>, vector<2512x128xi32>,
    %get3A_14 = arith.constant 0 : index
    %get3A_15 = arith.constant 0 : index
    %get3A_16 = vector.load %arg3[%get3A_14, %get3A_15] : memref<2512x128xi32, #tpu.memory_space<vmem>>, vector<2512x128xi32>
    %iota3A = tpu.iota {dimensions = array<i32: 1>} : vector<2512x128xi32>
    %lt3A = arith.constant 2 : i32
    %lt3A_17 = vector.broadcast %lt3A : i32 to vector<2512x128xi32>
    %lt3A_18 = arith.cmpi slt, %get3A_16, %lt3A_17 : vector<2512x128xi32>
    %mul3A_19 = arith.constant 10048 : i32
    %mul3A_20 = vector.broadcast %mul3A_19 : i32 to vector<2512x128xi32>
    %mul3A_21 = arith.muli %get3A_16, %mul3A_20 : vector<2512x128xi32>
    %get3A_22 = arith.constant 0 : index
    %get3A_23 = arith.constant 0 : index
    %get3A_24 = vector.load %arg2[%get3A_22, %get3A_23] : memref<2512x128xi32, #tpu.memory_space<vmem>>, vector<2512x128xi32>
    %add3A_25 = arith.addi %mul3A_21, %get3A_24 : vector<2512x128xi32>
    %and3A = arith.constant 7 : i32
    %and3A_26 = vector.broadcast %and3A : i32 to vector<2512x128xi32>
    %and3A_27 = arith.andi %iota3A, %and3A_26 : vector<2512x128xi32>
    %add3A_28 = arith.constant 10000 : i32
    %add3A_29 = vector.broadcast %add3A_28 : i32 to vector<2512x128xi32>
    %add3A_30 = arith.addi %add3A_29, %and3A_27 : vector<2512x128xi32>
    %select_n3A = arith.select %lt3A_18, %add3A_25, %add3A_30 : vector<2512x128xi1>, vector<2512x128xi32>
    %swap3A_31 = arith.constant 0 : index
    %swap3A_32 = arith.constant 0 : index
    %swap3A_33 = vector.load %arg6[%swap3A_31, %swap3A_32] : memref<2512x128xi32, #tpu.memory_space<vmem>>, vector<2512x128xi32>
    tpu.vector_store %arg6[%swap3A_31, %swap3A_32], %select_n3A {strides = array<i32>} : memref<2512x128xi32, #tpu.memory_space<vmem>>, vector<2512x128xi32>,
    return
  }
  func.func @transform_0(%arg0: i32) -> (i32, i32) {
    %c0_i32 = arith.constant 0 : i32
    %c0_i32_0 = arith.constant 0 : i32
    %c0_i32_1 = arith.constant 0 : i32
    return %c0_i32, %c0_i32_0 : i32, i32
  }
  func.func @transform_1(%arg0: i32) -> (i32, i32) {
    %c0_i32 = arith.constant 0 : i32
    %c0_i32_0 = arith.constant 0 : i32
    %c0_i32_1 = arith.constant 0 : i32
    return %c0_i32, %c0_i32_0 : i32, i32
  }
  func.func @transform_2(%arg0: i32) -> (i32, i32) {
    %c0_i32 = arith.constant 0 : i32
    %c0_i32_0 = arith.constant 0 : i32
    %c0_i32_1 = arith.constant 0 : i32
    return %c0_i32, %c0_i32_0 : i32, i32
  }
  func.func @transform_3(%arg0: i32) -> (i32, i32) {
    %c0_i32 = arith.constant 0 : i32
    %c0_i32_0 = arith.constant 0 : i32
    %c0_i32_1 = arith.constant 0 : i32
    return %c0_i32, %c0_i32_0 : i32, i32
  }
  func.func @transform_4(%arg0: i32) -> (i32, i32) {
    %c0_i32 = arith.constant 0 : i32
    %c0_i32_0 = arith.constant 0 : i32
    %c0_i32_1 = arith.constant 0 : i32
    return %c0_i32, %c0_i32_0 : i32, i32
  }
  func.func @transform_5(%arg0: i32) -> (i32, i32) {
    %c0_i32 = arith.constant 0 : i32
    %c0_i32_0 = arith.constant 0 : i32
    %c0_i32_1 = arith.constant 0 : i32
    return %c0_i32, %c0_i32_0 : i32, i32
  }
}

module attributes {stable_mosaic.version = 14 : i64} {
  func.func @_enc_body(%arg0: i32, %arg1: memref<1000x1664xf32, #tpu.memory_space<vmem>>, %arg2: memref<1664x128xf32, #tpu.memory_space<vmem>>, %arg3: memref<1x128xf32, #tpu.memory_space<vmem>>, %arg4: memref<128x128xf32, #tpu.memory_space<vmem>>, %arg5: memref<1x128xf32, #tpu.memory_space<vmem>>, %arg6: memref<1000x128xf32, #tpu.memory_space<vmem>>) attributes {dimension_semantics = [#tpu.dimension_semantics<arbitrary>], iteration_bounds = array<i64: 10>, scalar_prefetch = 0 : i64, scratch_operands = 0 : i64, tpu.core_type = #tpu.core_type<tc>, window_params = [{transform_indices = @transform_0, window_bounds = array<i64: 1000, 1664>}, {pipeline_mode = #tpu.pipeline_mode<synchronous>, transform_indices = @transform_1, window_bounds = array<i64: 1664, 128>}, {pipeline_mode = #tpu.pipeline_mode<synchronous>, transform_indices = @transform_2, window_bounds = array<i64: 1, 128>}, {pipeline_mode = #tpu.pipeline_mode<synchronous>, transform_indices = @transform_3, window_bounds = array<i64: 128, 128>}, {pipeline_mode = #tpu.pipeline_mode<synchronous>, transform_indices = @transform_4, window_bounds = array<i64: 1, 128>}, {transform_indices = @transform_5, window_bounds = array<i64: 1000, 128>}]} {
    %get3A = arith.constant 0 : index
    %get3A_0 = arith.constant 0 : index
    %get3A_1 = vector.load %arg1[%get3A, %get3A_0] : memref<1000x1664xf32, #tpu.memory_space<vmem>>, vector<1000x1664xf32>
    %get3A_2 = arith.constant 0 : index
    %get3A_3 = arith.constant 0 : index
    %get3A_4 = vector.load %arg2[%get3A_2, %get3A_3] : memref<1664x128xf32, #tpu.memory_space<vmem>>, vector<1664x128xf32>
    %dot_general3A = arith.constant dense<0.000000e+00> : vector<1000x128xf32>
    %dot_general3A_5 = tpu.matmul %get3A_1, %get3A_4, %dot_general3A {dimension_numbers = #tpu.dot_dimension_numbers<[1], [0], [0], [1], [0, 0, 1, 1], [], []>, transpose_lhs_hint = false} : vector<1000x1664xf32>, vector<1664x128xf32>, vector<1000x128xf32> -> vector<1000x128xf32>
    %get3A_6 = arith.constant 0 : index
    %get3A_7 = arith.constant 0 : index
    %get3A_8 = vector.load %arg3[%get3A_6, %get3A_7] : memref<1x128xf32, #tpu.memory_space<vmem>>, vector<1x128xf32>
    %add3A = vector.broadcast %get3A_8 : vector<1x128xf32> to vector<1000x128xf32>
    %add3A_9 = arith.addf %dot_general3A_5, %add3A : vector<1000x128xf32>
    %gt3A = arith.constant 0.000000e+00 : f32
    %gt3A_10 = vector.broadcast %gt3A : f32 to vector<1000x128xf32>
    %gt3A_11 = arith.cmpf ogt, %add3A_9, %gt3A_10 : vector<1000x128xf32>
    %mul3A = arith.constant 0.00999999977 : f32
    %mul3A_12 = vector.broadcast %mul3A : f32 to vector<1000x128xf32>
    %mul3A_13 = arith.mulf %mul3A_12, %add3A_9 : vector<1000x128xf32>
    %select_n3A = arith.select %gt3A_11, %add3A_9, %mul3A_13 : vector<1000x128xi1>, vector<1000x128xf32>
    %get3A_14 = arith.constant 0 : index
    %get3A_15 = arith.constant 0 : index
    %get3A_16 = vector.load %arg4[%get3A_14, %get3A_15] : memref<128x128xf32, #tpu.memory_space<vmem>>, vector<128x128xf32>
    %dot_general3A_17 = arith.constant dense<0.000000e+00> : vector<1000x128xf32>
    %dot_general3A_18 = tpu.matmul %select_n3A, %get3A_16, %dot_general3A_17 {dimension_numbers = #tpu.dot_dimension_numbers<[1], [0], [0], [1], [0, 0, 1, 1], [], []>, transpose_lhs_hint = false} : vector<1000x128xf32>, vector<128x128xf32>, vector<1000x128xf32> -> vector<1000x128xf32>
    %get3A_19 = arith.constant 0 : index
    %get3A_20 = arith.constant 0 : index
    %get3A_21 = vector.load %arg5[%get3A_19, %get3A_20] : memref<1x128xf32, #tpu.memory_space<vmem>>, vector<1x128xf32>
    %add3A_22 = vector.broadcast %get3A_21 : vector<1x128xf32> to vector<1000x128xf32>
    %add3A_23 = arith.addf %dot_general3A_18, %add3A_22 : vector<1000x128xf32>
    %gt3A_24 = arith.constant 0.000000e+00 : f32
    %gt3A_25 = vector.broadcast %gt3A_24 : f32 to vector<1000x128xf32>
    %gt3A_26 = arith.cmpf ogt, %add3A_23, %gt3A_25 : vector<1000x128xf32>
    %mul3A_27 = arith.constant 0.00999999977 : f32
    %mul3A_28 = vector.broadcast %mul3A_27 : f32 to vector<1000x128xf32>
    %mul3A_29 = arith.mulf %mul3A_28, %add3A_23 : vector<1000x128xf32>
    %select_n3A_30 = arith.select %gt3A_26, %add3A_23, %mul3A_29 : vector<1000x128xi1>, vector<1000x128xf32>
    %swap3A = arith.constant 0 : index
    %swap3A_31 = arith.constant 0 : index
    %swap3A_32 = vector.load %arg6[%swap3A, %swap3A_31] : memref<1000x128xf32, #tpu.memory_space<vmem>>, vector<1000x128xf32>
    tpu.vector_store %arg6[%swap3A, %swap3A_31], %select_n3A_30 {strides = array<i32>} : memref<1000x128xf32, #tpu.memory_space<vmem>>, vector<1000x128xf32>,
    return
  }
  func.func @transform_0(%arg0: i32) -> (i32, i32) {
    %c0_i32 = arith.constant 0 : i32
    %c0_i32_0 = arith.constant 0 : i32
    return %arg0, %c0_i32 : i32, i32
  }
  func.func @transform_1(%arg0: i32) -> (i32, i32) {
    %c0_i32 = arith.constant 0 : i32
    %c0_i32_0 = arith.constant 0 : i32
    %c0_i32_1 = arith.constant 0 : i32
    return %c0_i32, %c0_i32_0 : i32, i32
  }
  func.func @transform_2(%arg0: i32) -> (i32, i32) {
    %c0_i32 = arith.constant 0 : i32
    %c0_i32_0 = arith.constant 0 : i32
    %c0_i32_1 = arith.constant 0 : i32
    return %c0_i32, %c0_i32_0 : i32, i32
  }
  func.func @transform_3(%arg0: i32) -> (i32, i32) {
    %c0_i32 = arith.constant 0 : i32
    %c0_i32_0 = arith.constant 0 : i32
    %c0_i32_1 = arith.constant 0 : i32
    return %c0_i32, %c0_i32_0 : i32, i32
  }
  func.func @transform_4(%arg0: i32) -> (i32, i32) {
    %c0_i32 = arith.constant 0 : i32
    %c0_i32_0 = arith.constant 0 : i32
    %c0_i32_1 = arith.constant 0 : i32
    return %c0_i32, %c0_i32_0 : i32, i32
  }
  func.func @transform_5(%arg0: i32) -> (i32, i32) {
    %c0_i32 = arith.constant 0 : i32
    %c0_i32_0 = arith.constant 0 : i32
    return %arg0, %c0_i32 : i32, i32
  }
}

module attributes {stable_mosaic.version = 14 : i64} {
  func.func @_mid_body(%arg0: i32, %arg1: memref<1000x128xf32, #tpu.memory_space<vmem>>, %arg2: memref<1000x64xf32, #tpu.memory_space<vmem>>, %arg3: memref<1000x64xf32, #tpu.memory_space<vmem>>, %arg4: memref<1000x64xf32, #tpu.memory_space<vmem>>, %arg5: memref<1000x64xf32, #tpu.memory_space<vmem>>, %arg6: memref<1000x16xf32, #tpu.memory_space<vmem>>, %arg7: memref<1000x16xf32, #tpu.memory_space<vmem>>, %arg8: memref<128x128xf32, #tpu.memory_space<vmem>>, %arg9: memref<1x128xf32, #tpu.memory_space<vmem>>, %arg10: memref<128x128xf32, #tpu.memory_space<vmem>>, %arg11: memref<128x128xf32, #tpu.memory_space<vmem>>, %arg12: memref<1000x128xf32, #tpu.memory_space<vmem>>) attributes {dimension_semantics = [#tpu.dimension_semantics<arbitrary>], iteration_bounds = array<i64: 10>, scalar_prefetch = 0 : i64, scratch_operands = 0 : i64, tpu.core_type = #tpu.core_type<tc>, window_params = [{transform_indices = @transform_0, window_bounds = array<i64: 1000, 128>}, {transform_indices = @transform_1, window_bounds = array<i64: 1000, 64>}, {transform_indices = @transform_2, window_bounds = array<i64: 1000, 64>}, {transform_indices = @transform_3, window_bounds = array<i64: 1000, 64>}, {transform_indices = @transform_4, window_bounds = array<i64: 1000, 64>}, {transform_indices = @transform_5, window_bounds = array<i64: 1000, 16>}, {transform_indices = @transform_6, window_bounds = array<i64: 1000, 16>}, {pipeline_mode = #tpu.pipeline_mode<synchronous>, transform_indices = @transform_7, window_bounds = array<i64: 128, 128>}, {pipeline_mode = #tpu.pipeline_mode<synchronous>, transform_indices = @transform_8, window_bounds = array<i64: 1, 128>}, {pipeline_mode = #tpu.pipeline_mode<synchronous>, transform_indices = @transform_9, window_bounds = array<i64: 128, 128>}, {pipeline_mode = #tpu.pipeline_mode<synchronous>, transform_indices = @transform_10, window_bounds = array<i64: 128, 128>}, {transform_indices = @transform_11, window_bounds = array<i64: 1000, 128>}]} {
    %get3A = arith.constant 0 : index
    %get3A_0 = arith.constant 0 : index
    %get3A_1 = vector.load %arg1[%get3A, %get3A_0] : memref<1000x128xf32, #tpu.memory_space<vmem>>, vector<1000x128xf32>
    %get3A_2 = arith.constant 0 : index
    %get3A_3 = arith.constant 0 : index
    %get3A_4 = vector.load %arg8[%get3A_2, %get3A_3] : memref<128x128xf32, #tpu.memory_space<vmem>>, vector<128x128xf32>
    %dot_general3A = arith.constant dense<0.000000e+00> : vector<1000x128xf32>
    %dot_general3A_5 = tpu.matmul %get3A_1, %get3A_4, %dot_general3A {dimension_numbers = #tpu.dot_dimension_numbers<[1], [0], [0], [1], [0, 0, 1, 1], [], []>, transpose_lhs_hint = false} : vector<1000x128xf32>, vector<128x128xf32>, vector<1000x128xf32> -> vector<1000x128xf32>
    %get3A_6 = arith.constant 0 : index
    %get3A_7 = arith.constant 0 : index
    %get3A_8 = vector.load %arg9[%get3A_6, %get3A_7] : memref<1x128xf32, #tpu.memory_space<vmem>>, vector<1x128xf32>
    %add3A = vector.broadcast %get3A_8 : vector<1x128xf32> to vector<1000x128xf32>
    %add3A_9 = arith.addf %dot_general3A_5, %add3A : vector<1000x128xf32>
    %get3A_10 = arith.constant 0 : index
    %get3A_11 = arith.constant 0 : index
    %get3A_12 = vector.load %arg2[%get3A_10, %get3A_11] : memref<1000x64xf32, #tpu.memory_space<vmem>>, vector<1000x64xf32>
    %get3A_13 = arith.constant 0 : index
    %get3A_14 = arith.constant 0 : index
    %get3A_15 = vector.load %arg4[%get3A_13, %get3A_14] : memref<1000x64xf32, #tpu.memory_space<vmem>>, vector<1000x64xf32>
    %concatenate3A = tpu.concatenate %get3A_12, %get3A_15 in 1 : vector<1000x64xf32>, vector<1000x64xf32> -> vector<1000x128xf32>
    %get3A_16 = arith.constant 0 : index
    %get3A_17 = arith.constant 0 : index
    %get3A_18 = vector.load %arg6[%get3A_16, %get3A_17] : memref<1000x16xf32, #tpu.memory_space<vmem>>, vector<1000x1xf32>
    %max3A = arith.constant 1.000000e+00 : f32
    %max3A_19 = vector.broadcast %max3A : f32 to vector<1000x1xf32>
    %max3A_20 = arith.maximumf %get3A_18, %max3A_19 : vector<1000x1xf32>
    %div3A = arith.constant 1.000000e+00 : f32
    %div3A_21 = vector.broadcast %div3A : f32 to vector<1000x1xf32>
    %div3A_22 = arith.divf %div3A_21, %max3A_20 : vector<1000x1xf32>
    %mul3A = vector.broadcast %div3A_22 : vector<1000x1xf32> to vector<1000x128xf32>
    %mul3A_23 = arith.mulf %concatenate3A, %mul3A : vector<1000x128xf32>
    %get3A_24 = arith.constant 0 : index
    %get3A_25 = arith.constant 0 : index
    %get3A_26 = vector.load %arg10[%get3A_24, %get3A_25] : memref<128x128xf32, #tpu.memory_space<vmem>>, vector<128x128xf32>
    %dot_general3A_27 = arith.constant dense<0.000000e+00> : vector<1000x128xf32>
    %dot_general3A_28 = tpu.matmul %mul3A_23, %get3A_26, %dot_general3A_27 {dimension_numbers = #tpu.dot_dimension_numbers<[1], [0], [0], [1], [0, 0, 1, 1], [], []>, transpose_lhs_hint = false} : vector<1000x128xf32>, vector<128x128xf32>, vector<1000x128xf32> -> vector<1000x128xf32>
    %add3A_29 = arith.addf %add3A_9, %dot_general3A_28 : vector<1000x128xf32>
    %get3A_30 = arith.constant 0 : index
    %get3A_31 = arith.constant 0 : index
    %get3A_32 = vector.load %arg3[%get3A_30, %get3A_31] : memref<1000x64xf32, #tpu.memory_space<vmem>>, vector<1000x64xf32>
    %get3A_33 = arith.constant 0 : index
    %get3A_34 = arith.constant 0 : index
    %get3A_35 = vector.load %arg5[%get3A_33, %get3A_34] : memref<1000x64xf32, #tpu.memory_space<vmem>>, vector<1000x64xf32>
    %concatenate3A_36 = tpu.concatenate %get3A_32, %get3A_35 in 1 : vector<1000x64xf32>, vector<1000x64xf32> -> vector<1000x128xf32>
    %get3A_37 = arith.constant 0 : index
    %get3A_38 = arith.constant 0 : index
    %get3A_39 = vector.load %arg7[%get3A_37, %get3A_38] : memref<1000x16xf32, #tpu.memory_space<vmem>>, vector<1000x1xf32>
    %max3A_40 = arith.constant 1.000000e+00 : f32
    %max3A_41 = vector.broadcast %max3A_40 : f32 to vector<1000x1xf32>
    %max3A_42 = arith.maximumf %get3A_39, %max3A_41 : vector<1000x1xf32>
    %div3A_43 = arith.constant 1.000000e+00 : f32
    %div3A_44 = vector.broadcast %div3A_43 : f32 to vector<1000x1xf32>
    %div3A_45 = arith.divf %div3A_44, %max3A_42 : vector<1000x1xf32>
    %mul3A_46 = vector.broadcast %div3A_45 : vector<1000x1xf32> to vector<1000x128xf32>
    %mul3A_47 = arith.mulf %concatenate3A_36, %mul3A_46 : vector<1000x128xf32>
    %get3A_48 = arith.constant 0 : index
    %get3A_49 = arith.constant 0 : index
    %get3A_50 = vector.load %arg11[%get3A_48, %get3A_49] : memref<128x128xf32, #tpu.memory_space<vmem>>, vector<128x128xf32>
    %dot_general3A_51 = arith.constant dense<0.000000e+00> : vector<1000x128xf32>
    %dot_general3A_52 = tpu.matmul %mul3A_47, %get3A_50, %dot_general3A_51 {dimension_numbers = #tpu.dot_dimension_numbers<[1], [0], [0], [1], [0, 0, 1, 1], [], []>, transpose_lhs_hint = false} : vector<1000x128xf32>, vector<128x128xf32>, vector<1000x128xf32> -> vector<1000x128xf32>
    %add3A_53 = arith.addf %add3A_29, %dot_general3A_52 : vector<1000x128xf32>
    %swap3A = arith.constant 0 : index
    %swap3A_54 = arith.constant 0 : index
    %swap3A_55 = vector.load %arg12[%swap3A, %swap3A_54] : memref<1000x128xf32, #tpu.memory_space<vmem>>, vector<1000x128xf32>
    tpu.vector_store %arg12[%swap3A, %swap3A_54], %add3A_53 {strides = array<i32>} : memref<1000x128xf32, #tpu.memory_space<vmem>>, vector<1000x128xf32>,
    return
  }
  func.func @transform_0(%arg0: i32) -> (i32, i32) {
    %c0_i32 = arith.constant 0 : i32
    %c0_i32_0 = arith.constant 0 : i32
    return %arg0, %c0_i32 : i32, i32
  }
  func.func @transform_1(%arg0: i32) -> (i32, i32) {
    %c0_i32 = arith.constant 0 : i32
    %c0_i32_0 = arith.constant 0 : i32
    return %arg0, %c0_i32 : i32, i32
  }
  func.func @transform_2(%arg0: i32) -> (i32, i32) {
    %c0_i32 = arith.constant 0 : i32
    %c0_i32_0 = arith.constant 0 : i32
    return %arg0, %c0_i32 : i32, i32
  }
  func.func @transform_3(%arg0: i32) -> (i32, i32) {
    %c0_i32 = arith.constant 0 : i32
    %c0_i32_0 = arith.constant 0 : i32
    return %arg0, %c0_i32 : i32, i32
  }
  func.func @transform_4(%arg0: i32) -> (i32, i32) {
    %c0_i32 = arith.constant 0 : i32
    %c0_i32_0 = arith.constant 0 : i32
    return %arg0, %c0_i32 : i32, i32
  }
  func.func @transform_5(%arg0: i32) -> (i32, i32) {
    %c0_i32 = arith.constant 0 : i32
    %c0_i32_0 = arith.constant 0 : i32
    return %arg0, %c0_i32 : i32, i32
  }
  func.func @transform_6(%arg0: i32) -> (i32, i32) {
    %c0_i32 = arith.constant 0 : i32
    %c0_i32_0 = arith.constant 0 : i32
    return %arg0, %c0_i32 : i32, i32
  }
  func.func @transform_7(%arg0: i32) -> (i32, i32) {
    %c0_i32 = arith.constant 0 : i32
    %c0_i32_0 = arith.constant 0 : i32
    %c0_i32_1 = arith.constant 0 : i32
    return %c0_i32, %c0_i32_0 : i32, i32
  }
  func.func @transform_8(%arg0: i32) -> (i32, i32) {
    %c0_i32 = arith.constant 0 : i32
    %c0_i32_0 = arith.constant 0 : i32
    %c0_i32_1 = arith.constant 0 : i32
    return %c0_i32, %c0_i32_0 : i32, i32
  }
  func.func @transform_9(%arg0: i32) -> (i32, i32) {
    %c0_i32 = arith.constant 0 : i32
    %c0_i32_0 = arith.constant 0 : i32
    %c0_i32_1 = arith.constant 0 : i32
    return %c0_i32, %c0_i32_0 : i32, i32
  }
  func.func @transform_10(%arg0: i32) -> (i32, i32) {
    %c0_i32 = arith.constant 0 : i32
    %c0_i32_0 = arith.constant 0 : i32
    %c0_i32_1 = arith.constant 0 : i32
    return %c0_i32, %c0_i32_0 : i32, i32
  }
  func.func @transform_11(%arg0: i32) -> (i32, i32) {
    %c0_i32 = arith.constant 0 : i32
    %c0_i32_0 = arith.constant 0 : i32
    return %arg0, %c0_i32 : i32, i32
  }
}

module attributes {stable_mosaic.version = 14 : i64} {
  func.func @_head_body(%arg0: i32, %arg1: memref<1000x128xf32, #tpu.memory_space<vmem>>, %arg2: memref<1000x64xf32, #tpu.memory_space<vmem>>, %arg3: memref<1000x64xf32, #tpu.memory_space<vmem>>, %arg4: memref<1000x64xf32, #tpu.memory_space<vmem>>, %arg5: memref<1000x64xf32, #tpu.memory_space<vmem>>, %arg6: memref<1000x16xf32, #tpu.memory_space<vmem>>, %arg7: memref<1000x16xf32, #tpu.memory_space<vmem>>, %arg8: memref<128x128xf32, #tpu.memory_space<vmem>>, %arg9: memref<1x128xf32, #tpu.memory_space<vmem>>, %arg10: memref<128x128xf32, #tpu.memory_space<vmem>>, %arg11: memref<128x128xf32, #tpu.memory_space<vmem>>, %arg12: memref<128x128xf32, #tpu.memory_space<vmem>>, %arg13: memref<1x128xf32, #tpu.memory_space<vmem>>, %arg14: memref<128x128xf32, #tpu.memory_space<vmem>>, %arg15: memref<1x128xf32, #tpu.memory_space<vmem>>, %arg16: memref<1000x128xf32, #tpu.memory_space<vmem>>) attributes {dimension_semantics = [#tpu.dimension_semantics<arbitrary>], iteration_bounds = array<i64: 10>, scalar_prefetch = 0 : i64, scratch_operands = 0 : i64, tpu.core_type = #tpu.core_type<tc>, window_params = [{transform_indices = @transform_0, window_bounds = array<i64: 1000, 128>}, {transform_indices = @transform_1, window_bounds = array<i64: 1000, 64>}, {transform_indices = @transform_2, window_bounds = array<i64: 1000, 64>}, {transform_indices = @transform_3, window_bounds = array<i64: 1000, 64>}, {transform_indices = @transform_4, window_bounds = array<i64: 1000, 64>}, {transform_indices = @transform_5, window_bounds = array<i64: 1000, 16>}, {transform_indices = @transform_6, window_bounds = array<i64: 1000, 16>}, {pipeline_mode = #tpu.pipeline_mode<synchronous>, transform_indices = @transform_7, window_bounds = array<i64: 128, 128>}, {pipeline_mode = #tpu.pipeline_mode<synchronous>, transform_indices = @transform_8, window_bounds = array<i64: 1, 128>}, {pipeline_mode = #tpu.pipeline_mode<synchronous>, transform_indices = @transform_9, window_bounds = array<i64: 128, 128>}, {pipeline_mode = #tpu.pipeline_mode<synchronous>, transform_indices = @transform_10, window_bounds = array<i64: 128, 128>}, {pipeline_mode = #tpu.pipeline_mode<synchronous>, transform_indices = @transform_11, window_bounds = array<i64: 128, 128>}, {pipeline_mode = #tpu.pipeline_mode<synchronous>, transform_indices = @transform_12, window_bounds = array<i64: 1, 128>}, {pipeline_mode = #tpu.pipeline_mode<synchronous>, transform_indices = @transform_13, window_bounds = array<i64: 128, 128>}, {pipeline_mode = #tpu.pipeline_mode<synchronous>, transform_indices = @transform_14, window_bounds = array<i64: 1, 128>}, {transform_indices = @transform_15, window_bounds = array<i64: 1000, 128>}]} {
    %get3A = arith.constant 0 : index
    %get3A_0 = arith.constant 0 : index
    %get3A_1 = vector.load %arg1[%get3A, %get3A_0] : memref<1000x128xf32, #tpu.memory_space<vmem>>, vector<1000x128xf32>
    %get3A_2 = arith.constant 0 : index
    %get3A_3 = arith.constant 0 : index
    %get3A_4 = vector.load %arg8[%get3A_2, %get3A_3] : memref<128x128xf32, #tpu.memory_space<vmem>>, vector<128x128xf32>
    %dot_general3A = arith.constant dense<0.000000e+00> : vector<1000x128xf32>
    %dot_general3A_5 = tpu.matmul %get3A_1, %get3A_4, %dot_general3A {dimension_numbers = #tpu.dot_dimension_numbers<[1], [0], [0], [1], [0, 0, 1, 1], [], []>, transpose_lhs_hint = false} : vector<1000x128xf32>, vector<128x128xf32>, vector<1000x128xf32> -> vector<1000x128xf32>
    %get3A_6 = arith.constant 0 : index
    %get3A_7 = arith.constant 0 : index
    %get3A_8 = vector.load %arg9[%get3A_6, %get3A_7] : memref<1x128xf32, #tpu.memory_space<vmem>>, vector<1x128xf32>
    %add3A = vector.broadcast %get3A_8 : vector<1x128xf32> to vector<1000x128xf32>
    %add3A_9 = arith.addf %dot_general3A_5, %add3A : vector<1000x128xf32>
    %get3A_10 = arith.constant 0 : index
    %get3A_11 = arith.constant 0 : index
    %get3A_12 = vector.load %arg2[%get3A_10, %get3A_11] : memref<1000x64xf32, #tpu.memory_space<vmem>>, vector<1000x64xf32>
    %get3A_13 = arith.constant 0 : index
    %get3A_14 = arith.constant 0 : index
    %get3A_15 = vector.load %arg4[%get3A_13, %get3A_14] : memref<1000x64xf32, #tpu.memory_space<vmem>>, vector<1000x64xf32>
    %concatenate3A = tpu.concatenate %get3A_12, %get3A_15 in 1 : vector<1000x64xf32>, vector<1000x64xf32> -> vector<1000x128xf32>
    %get3A_16 = arith.constant 0 : index
    %get3A_17 = arith.constant 0 : index
    %get3A_18 = vector.load %arg6[%get3A_16, %get3A_17] : memref<1000x16xf32, #tpu.memory_space<vmem>>, vector<1000x1xf32>
    %max3A = arith.constant 1.000000e+00 : f32
    %max3A_19 = vector.broadcast %max3A : f32 to vector<1000x1xf32>
    %max3A_20 = arith.maximumf %get3A_18, %max3A_19 : vector<1000x1xf32>
    %div3A = arith.constant 1.000000e+00 : f32
    %div3A_21 = vector.broadcast %div3A : f32 to vector<1000x1xf32>
    %div3A_22 = arith.divf %div3A_21, %max3A_20 : vector<1000x1xf32>
    %mul3A = vector.broadcast %div3A_22 : vector<1000x1xf32> to vector<1000x128xf32>
    %mul3A_23 = arith.mulf %concatenate3A, %mul3A : vector<1000x128xf32>
    %get3A_24 = arith.constant 0 : index
    %get3A_25 = arith.constant 0 : index
    %get3A_26 = vector.load %arg10[%get3A_24, %get3A_25] : memref<128x128xf32, #tpu.memory_space<vmem>>, vector<128x128xf32>
    %dot_general3A_27 = arith.constant dense<0.000000e+00> : vector<1000x128xf32>
    %dot_general3A_28 = tpu.matmul %mul3A_23, %get3A_26, %dot_general3A_27 {dimension_numbers = #tpu.dot_dimension_numbers<[1], [0], [0], [1], [0, 0, 1, 1], [], []>, transpose_lhs_hint = false} : vector<1000x128xf32>, vector<128x128xf32>, vector<1000x128xf32> -> vector<1000x128xf32>
    %add3A_29 = arith.addf %add3A_9, %dot_general3A_28 : vector<1000x128xf32>
    %get3A_30 = arith.constant 0 : index
    %get3A_31 = arith.constant 0 : index
    %get3A_32 = vector.load %arg3[%get3A_30, %get3A_31] : memref<1000x64xf32, #tpu.memory_space<vmem>>, vector<1000x64xf32>
    %get3A_33 = arith.constant 0 : index
    %get3A_34 = arith.constant 0 : index
    %get3A_35 = vector.load %arg5[%get3A_33, %get3A_34] : memref<1000x64xf32, #tpu.memory_space<vmem>>, vector<1000x64xf32>
    %concatenate3A_36 = tpu.concatenate %get3A_32, %get3A_35 in 1 : vector<1000x64xf32>, vector<1000x64xf32> -> vector<1000x128xf32>
    %get3A_37 = arith.constant 0 : index
    %get3A_38 = arith.constant 0 : index
    %get3A_39 = vector.load %arg7[%get3A_37, %get3A_38] : memref<1000x16xf32, #tpu.memory_space<vmem>>, vector<1000x1xf32>
    %max3A_40 = arith.constant 1.000000e+00 : f32
    %max3A_41 = vector.broadcast %max3A_40 : f32 to vector<1000x1xf32>
    %max3A_42 = arith.maximumf %get3A_39, %max3A_41 : vector<1000x1xf32>
    %div3A_43 = arith.constant 1.000000e+00 : f32
    %div3A_44 = vector.broadcast %div3A_43 : f32 to vector<1000x1xf32>
    %div3A_45 = arith.divf %div3A_44, %max3A_42 : vector<1000x1xf32>
    %mul3A_46 = vector.broadcast %div3A_45 : vector<1000x1xf32> to vector<1000x128xf32>
    %mul3A_47 = arith.mulf %concatenate3A_36, %mul3A_46 : vector<1000x128xf32>
    %get3A_48 = arith.constant 0 : index
    %get3A_49 = arith.constant 0 : index
    %get3A_50 = vector.load %arg11[%get3A_48, %get3A_49] : memref<128x128xf32, #tpu.memory_space<vmem>>, vector<128x128xf32>
    %dot_general3A_51 = arith.constant dense<0.000000e+00> : vector<1000x128xf32>
    %dot_general3A_52 = tpu.matmul %mul3A_47, %get3A_50, %dot_general3A_51 {dimension_numbers = #tpu.dot_dimension_numbers<[1], [0], [0], [1], [0, 0, 1, 1], [], []>, transpose_lhs_hint = false} : vector<1000x128xf32>, vector<128x128xf32>, vector<1000x128xf32> -> vector<1000x128xf32>
    %add3A_53 = arith.addf %add3A_29, %dot_general3A_52 : vector<1000x128xf32>
    %get3A_54 = arith.constant 0 : index
    %get3A_55 = arith.constant 0 : index
    %get3A_56 = vector.load %arg12[%get3A_54, %get3A_55] : memref<128x128xf32, #tpu.memory_space<vmem>>, vector<128x128xf32>
    %dot_general3A_57 = arith.constant dense<0.000000e+00> : vector<1000x128xf32>
    %dot_general3A_58 = tpu.matmul %add3A_53, %get3A_56, %dot_general3A_57 {dimension_numbers = #tpu.dot_dimension_numbers<[1], [0], [0], [1], [0, 0, 1, 1], [], []>, transpose_lhs_hint = false} : vector<1000x128xf32>, vector<128x128xf32>, vector<1000x128xf32> -> vector<1000x128xf32>
    %get3A_59 = arith.constant 0 : index
    %get3A_60 = arith.constant 0 : index
    %get3A_61 = vector.load %arg13[%get3A_59, %get3A_60] : memref<1x128xf32, #tpu.memory_space<vmem>>, vector<1x128xf32>
    %add3A_62 = vector.broadcast %get3A_61 : vector<1x128xf32> to vector<1000x128xf32>
    %add3A_63 = arith.addf %dot_general3A_58, %add3A_62 : vector<1000x128xf32>
    %gt3A = arith.constant 0.000000e+00 : f32
    %gt3A_64 = vector.broadcast %gt3A : f32 to vector<1000x128xf32>
    %gt3A_65 = arith.cmpf ogt, %add3A_63, %gt3A_64 : vector<1000x128xf32>
    %mul3A_66 = arith.constant 0.00999999977 : f32
    %mul3A_67 = vector.broadcast %mul3A_66 : f32 to vector<1000x128xf32>
    %mul3A_68 = arith.mulf %mul3A_67, %add3A_63 : vector<1000x128xf32>
    %select_n3A = arith.select %gt3A_65, %add3A_63, %mul3A_68 : vector<1000x128xi1>, vector<1000x128xf32>
    %get3A_69 = arith.constant 0 : index
    %get3A_70 = arith.constant 0 : index
    %get3A_71 = vector.load %arg14[%get3A_69, %get3A_70] : memref<128x128xf32, #tpu.memory_space<vmem>>, vector<128x128xf32>
    %dot_general3A_72 = arith.constant dense<0.000000e+00> : vector<1000x128xf32>
    %dot_general3A_73 = tpu.matmul %select_n3A, %get3A_71, %dot_general3A_72 {dimension_numbers = #tpu.dot_dimension_numbers<[1], [0], [0], [1], [0, 0, 1, 1], [], []>, transpose_lhs_hint = false} : vector<1000x128xf32>, vector<128x128xf32>, vector<1000x128xf32> -> vector<1000x128xf32>
    %get3A_74 = arith.constant 0 : index
    %get3A_75 = arith.constant 0 : index
    %get3A_76 = vector.load %arg15[%get3A_74, %get3A_75] : memref<1x128xf32, #tpu.memory_space<vmem>>, vector<1x128xf32>
    %add3A_77 = vector.broadcast %get3A_76 : vector<1x128xf32> to vector<1000x128xf32>
    %add3A_78 = arith.addf %dot_general3A_73, %add3A_77 : vector<1000x128xf32>
    %swap3A = arith.constant 0 : index
    %swap3A_79 = arith.constant 0 : index
    %swap3A_80 = vector.load %arg16[%swap3A, %swap3A_79] : memref<1000x128xf32, #tpu.memory_space<vmem>>, vector<1000x128xf32>
    tpu.vector_store %arg16[%swap3A, %swap3A_79], %add3A_78 {strides = array<i32>} : memref<1000x128xf32, #tpu.memory_space<vmem>>, vector<1000x128xf32>,
    return
  }
  func.func @transform_0(%arg0: i32) -> (i32, i32) {
    %c0_i32 = arith.constant 0 : i32
    %c0_i32_0 = arith.constant 0 : i32
    return %arg0, %c0_i32 : i32, i32
  }
  func.func @transform_1(%arg0: i32) -> (i32, i32) {
    %c0_i32 = arith.constant 0 : i32
    %c0_i32_0 = arith.constant 0 : i32
    return %arg0, %c0_i32 : i32, i32
  }
  func.func @transform_2(%arg0: i32) -> (i32, i32) {
    %c0_i32 = arith.constant 0 : i32
    %c0_i32_0 = arith.constant 0 : i32
    return %arg0, %c0_i32 : i32, i32
  }
  func.func @transform_3(%arg0: i32) -> (i32, i32) {
    %c0_i32 = arith.constant 0 : i32
    %c0_i32_0 = arith.constant 0 : i32
    return %arg0, %c0_i32 : i32, i32
  }
  func.func @transform_4(%arg0: i32) -> (i32, i32) {
    %c0_i32 = arith.constant 0 : i32
    %c0_i32_0 = arith.constant 0 : i32
    return %arg0, %c0_i32 : i32, i32
  }
  func.func @transform_5(%arg0: i32) -> (i32, i32) {
    %c0_i32 = arith.constant 0 : i32
    %c0_i32_0 = arith.constant 0 : i32
    return %arg0, %c0_i32 : i32, i32
  }
  func.func @transform_6(%arg0: i32) -> (i32, i32) {
    %c0_i32 = arith.constant 0 : i32
    %c0_i32_0 = arith.constant 0 : i32
    return %arg0, %c0_i32 : i32, i32
  }
  func.func @transform_7(%arg0: i32) -> (i32, i32) {
    %c0_i32 = arith.constant 0 : i32
    %c0_i32_0 = arith.constant 0 : i32
    %c0_i32_1 = arith.constant 0 : i32
    return %c0_i32, %c0_i32_0 : i32, i32
  }
  func.func @transform_8(%arg0: i32) -> (i32, i32) {
    %c0_i32 = arith.constant 0 : i32
    %c0_i32_0 = arith.constant 0 : i32
    %c0_i32_1 = arith.constant 0 : i32
    return %c0_i32, %c0_i32_0 : i32, i32
  }
  func.func @transform_9(%arg0: i32) -> (i32, i32) {
    %c0_i32 = arith.constant 0 : i32
    %c0_i32_0 = arith.constant 0 : i32
    %c0_i32_1 = arith.constant 0 : i32
    return %c0_i32, %c0_i32_0 : i32, i32
  }
  func.func @transform_10(%arg0: i32) -> (i32, i32) {
    %c0_i32 = arith.constant 0 : i32
    %c0_i32_0 = arith.constant 0 : i32
    %c0_i32_1 = arith.constant 0 : i32
    return %c0_i32, %c0_i32_0 : i32, i32
  }
  func.func @transform_11(%arg0: i32) -> (i32, i32) {
    %c0_i32 = arith.constant 0 : i32
    %c0_i32_0 = arith.constant 0 : i32
    %c0_i32_1 = arith.constant 0 : i32
    return %c0_i32, %c0_i32_0 : i32, i32
  }
  func.func @transform_12(%arg0: i32) -> (i32, i32) {
    %c0_i32 = arith.constant 0 : i32
    %c0_i32_0 = arith.constant 0 : i32
    %c0_i32_1 = arith.constant 0 : i32
    return %c0_i32, %c0_i32_0 : i32, i32
  }
  func.func @transform_13(%arg0: i32) -> (i32, i32) {
    %c0_i32 = arith.constant 0 : i32
    %c0_i32_0 = arith.constant 0 : i32
    %c0_i32_1 = arith.constant 0 : i32
    return %c0_i32, %c0_i32_0 : i32, i32
  }
  func.func @transform_14(%arg0: i32) -> (i32, i32) {
    %c0_i32 = arith.constant 0 : i32
    %c0_i32_0 = arith.constant 0 : i32
    %c0_i32_1 = arith.constant 0 : i32
    return %c0_i32, %c0_i32_0 : i32, i32
  }
  func.func @transform_15(%arg0: i32) -> (i32, i32) {
    %c0_i32 = arith.constant 0 : i32
    %c0_i32_0 = arith.constant 0 : i32
    return %arg0, %c0_i32 : i32, i32
  }
}

</mosaic_0001>

<sc_bundles>
// kernel: rgcn_degree_count.3.cloned.1.call-start
scs
__scs_entry_jumppad:
0x0: {  	(pc) =	sbr.rel $0x88, $3  }
0x1: {  	(tag) =	ssettag $0x0;
	lr =	simm.s32 $0x1  }
0x2: {  	[smem:$0x3F84] =	sst lr;
	_ =	strace $0xD0000000  }
0x3: {  	_ = 	snop  }
0x4: {  	_ = 	snop  }
0x5: {  	_ = 	snop  }
0x6: {  	_ = 	snop  }
0x7: {  	_ = 	snop  }
__scs_overlays_trampoline_lowered:
0x8: {  	[smem:$0x3F93] =	sst s0  }
0x9: {  	[smem:$0x3F94] =	sst s1  }
0xa: {  	[smem:$0x3F95] =	sst s2  }
0xb: {  	[smem:$0x3F96] =	sst s3  }
0xc: {  	[smem:$0x3F97] =	sst s4  }
0xd: {  	[smem:$0x3F98] =	sst s5  }
0xe: {  	[smem:$0x3F99] =	sst s6  }
0xf: {  	[smem:$0x3F9A] =	sst s7  }
0x10: {  	[smem:$0x3F9B] =	sst s8  }
0x11: {  	[smem:$0x3F9C] =	sst s9;
	s0 =	simm.s32 @!p0 $0x0  }
0x12: {  	s1 =	sld [smem:$0x3F82];
	s0 =	simm.s32 @p0 $0x1  }
0x13: {  	[smem:$0x3F9D] =	sst s0;
	s0 =	simm.s32 @!p1 $0x0  }
0x14: {  	s2 =	sld [smem:$0x3F81];
	s0 =	simm.s32 @p1 $0x1  }
0x15: {  	[smem:$0x3F9E] =	sst s0;
	s0 =	simm.s32 @!p2 $0x0  }
0x16: {  	s3 =	sld [smem:$0x3FDB];
	s0 =	simm.s32 @p2 $0x1  }
0x17: {  	s4 =	simm.s32 $0x1BF5;
	[smem:$0x3FA0] =	sst s0  }
0x18: {  	s0 =	sld [smem:$0x3F83];
	_ =	swait.ge [sflag:s4], $0x0  }
0x19: {  	s7 =	sld [smem:$0x3F84]  }
0x1a: {  	s8 =	sadd.s32 $0xFFFFE003, lr  }
0x1b: {  	s9 =	sadd.s32 $0xFFFFFEF7, lr;
	s5 =	simm.s32 $0xFFFFFFFF;
	p2 =	slt.u32 s8, $0xFFFFF086  }
0x1c: {  	p1 =	slt.u32 s9, $0xF7A;
	s5 =	simm.s32 @!p2 $0x0  }
0x1d: {  	s5 =	simm.s32 @p1 $0x1;
	p0 =	seq.s32 s7, s2  }
0x1e: {  	s7 =	smul.u32 @!p0 $0xF7A, s2;
	p2 =	seq.s32 @!p0 s5, $0x0  }
0x1f: {  	s9 =	smul.u32 $0xF7A, s1;
	s8 =	simm.s32 @!p0 $0x1BF5;
	p2 =	por !p2, p0  }
0x20: {  	[sflag:s8] =	ssyncset.s32 @!p0 $0xFFFFF086;
	s6 =	sadd.s32 @!p0 s3, s7;
	s7 =	simm.s32 @!p0 $0x108  }
0x21: {  	s3 =	sadd.s32 s3, s9;
	s6 =	sadd.s32 @!p0 $0x88, s6;
	s7 =	simm.s32 @p2 $0x1082  }
0x22: {  	[simem:s7], [sflag:s8] =	dma.local @!p0 [hbm:s6], $0xF7A  }
0x23: {  	s9 =	sor.u32 $0xD0000000, s2;
	s6 =	simm.s32 $0x108;
	_ =	swait.ge @!p0 [sflag:s8], $0x0  }
0x24: {  	s3 =	sadd.s32 $0x88, s3;
	s6 =	simm.s32 @!p1 $0x1082;
	[sflag:s4] =	ssyncset.s32 $0xFFFFF086  }
0x25: {  	[simem:s6], [sflag:s4] =	dma.local [hbm:s3], $0xF7A  }
0x26: {  	[smem:$0x3F84] =	sst s1;
	(tag) =	ssettag s2;
	_ =	strace s9  }
0x27: {  	s1 =	sld [smem:$0x3F94]  }
0x28: {  	s2 =	sld [smem:$0x3F95]  }
0x29: {  	s4 =	sld [smem:$0x3F97]  }
0x2a: {  	p0 =	seq.s32 s5, $0x0;
	s5 =	sld [smem:$0x3F98]  }
0x2b: {  	s6 =	sld [smem:$0x3F99]  }
0x2c: {  	s7 =	sld [smem:$0x3F9A]  }
0x2d: {  	s3 =	simm.s32 $0x108;
	s8 =	sld [smem:$0x3F9B]  }
0x2e: {  	s3 =	simm.s32 @!p0 $0x1082;
	s9 =	sld [smem:$0x3F9C]  }
0x2f: {  	lr =	sadd.s32 s0, s3;
	s0 =	sld [smem:$0x3F93]  }
0x30: {  	s3 =	sld [smem:$0x3F96]  }
0x31: {  	[smem:$0x3F9F] =	sst s10  }
0x32: {  	s10 =	sld [smem:$0x3F9D];
	_ =	sdelay $0x3  }
0x33: {  	p0 =	seq.s32 s10, $0x1;
	s10 =	sld [smem:$0x3F9F];
	_ =	sdelay $0x3  }
0x34: {  	[smem:$0x3F9F] =	sst s10  }
0x35: {  	s10 =	sld [smem:$0x3F9E];
	_ =	sdelay $0x3  }
0x36: {  	p1 =	seq.s32 s10, $0x1;
	s10 =	sld [smem:$0x3F9F];
	_ =	sdelay $0x3  }
0x37: {  	[smem:$0x3F9F] =	sst s10  }
0x38: {  	s10 =	sld [smem:$0x3FA0]  }
0x39: {  	_ = 	snop;
	(pc) =	sbr.ind lr, $3  }
0x3a: {  	_ = 	snop  }
0x3b: {  	_ = 	snop  }
0x3c: {  	p2 =	seq.s32 s10, $0x1;
	s10 =	sld [smem:$0x3F9F]  }
0x3d: {  	_ =	shalt  }
0x3e: {  	_ =	shalt  }
0x3f: {  	_ =	shalt  }
0x40: {  	_ =	shalt  }
0x41: {  	_ =	shalt  }
0x42: {  	_ =	shalt  }
0x43: {  	_ =	shalt  }
0x44: {  	_ =	shalt  }
0x45: {  	_ =	shalt  }
0x46: {  	_ =	shalt  }
0x47: {  	_ =	shalt  }
0x48: {  	_ =	shalt  }
0x49: {  	_ =	shalt  }
0x4a: {  	_ =	shalt  }
0x4b: {  	_ =	shalt  }
0x4c: {  	_ =	shalt  }
0x4d: {  	_ =	shalt  }
0x4e: {  	_ =	shalt  }
0x4f: {  	_ =	shalt  }
0x50: {  	_ =	shalt  }
0x51: {  	_ =	shalt  }
0x52: {  	_ =	shalt  }
0x53: {  	_ =	shalt  }
0x54: {  	_ =	shalt  }
0x55: {  	_ =	shalt  }
0x56: {  	_ =	shalt  }
0x57: {  	_ =	shalt  }
0x58: {  	_ =	shalt  }
0x59: {  	_ =	shalt  }
0x5a: {  	_ =	shalt  }
0x5b: {  	_ =	shalt  }
0x5c: {  	_ =	shalt  }
0x5d: {  	_ =	shalt  }
0x5e: {  	_ =	shalt  }
0x5f: {  	_ =	shalt  }
0x60: {  	_ =	shalt  }
0x61: {  	_ =	shalt  }
0x62: {  	_ =	shalt  }
0x63: {  	_ =	shalt  }
0x64: {  	_ =	shalt  }
0x65: {  	_ =	shalt  }
0x66: {  	_ =	shalt  }
0x67: {  	_ =	shalt  }
0x68: {  	_ =	shalt  }
0x69: {  	_ =	shalt  }
0x6a: {  	_ =	shalt  }
0x6b: {  	_ =	shalt  }
0x6c: {  	_ =	shalt  }
0x6d: {  	_ =	shalt  }
0x6e: {  	_ =	shalt  }
0x6f: {  	_ =	shalt  }
0x70: {  	_ =	shalt  }
0x71: {  	_ =	shalt  }
0x72: {  	_ =	shalt  }
0x73: {  	_ =	shalt  }
0x74: {  	_ =	shalt  }
0x75: {  	_ =	shalt  }
0x76: {  	_ =	shalt  }
0x77: {  	_ =	shalt  }
0x78: {  	_ =	shalt  }
0x79: {  	_ =	shalt  }
0x7a: {  	_ =	shalt  }
0x7b: {  	_ =	shalt  }
0x7c: {  	_ =	shalt  }
0x7d: {  	_ =	shalt  }
0x7e: {  	_ =	shalt  }
0x7f: {  	_ =	shalt  }
0x80: {  	_ =	shalt  }
0x81: {  	_ =	shalt  }
0x82: {  	_ =	shalt  }
0x83: {  	_ =	shalt  }
0x84: {  	_ =	shalt  }
0x85: {  	_ =	shalt  }
0x86: {  	_ =	shalt  }
0x87: {  	_ =	shalt  }
.Lfunc_end0:
.L_simem_size_0:
called_computation_lowered:
.L_overlay_start_0:
0x88: {  	s2 =	sld [smem:$0x3FD9]  }
0x89: {  	s3 =	sld [smem:$0x3FFE];
	_ =	sdelay $0x1  }
0x8a: {  	s1 =	srdreg.scid  }
0x8b: {  	s0 =	sand.u32 $0x1, s1  }
0x8c: {  	s17 =	sshll.u32 s0, $0xA;
	s2 =	sadd.s32 s3, s2  }
0x8d: {  	s2 =	sadd.s32 s2, s17  }
0x8e: {  	[smem:$0x3FAB] =	sst s2  }
0x8f: {  	_ = 	snop  }
0x90: {  	s18 =	sld [smem:$0x3FD0];
	(tm) =	ssettm $0x1  }
0x91: {  	s19 =	sld [smem:$0x3FFB];
	_ =	sdelay $0x3  }
0x92: {  	_ =	strace s19  }
0x93: {  	s2 =	sld [smem:$0x3FFC];
	_ =	sdelay $0x3  }
0x94: {  	_ =	strace s2  }
0x95: {  	s2 =	sld [smem:$0x3FFD];
	_ =	sdelay $0x3  }
0x96: {  	_ =	strace s2  }
0x97: {  	_ =	strace $0x8FFFFFFF  }
0x98: {  	s20 =	sld [smem:$0x3FDB];
	_ =	sdelay $0x1  }
0x99: {  	s4 =	simm.s32 $_scs_section_size  }
0x9a: {  	s5 =	simm.s32 $_size__tile_overlayer_lowered;
	s6 =	simm.s32 $_tile_overlayer_lowered  }
0x9b: {  	s7 =	simm.s32 $0x1BFF;
	s21 =	sshll.u32 s6, $0x1;
	s4 =	sadd.s32 s4, s20  }
0x9c: {  	s22 =	simm.s32 $0x0;
	s5 =	sshll.u32 s5, $0x1;
	s6 =	sadd.s32 s21, s4  }
0x9d: {  	[timem:s22], [sflag:s7] =	dma.local [hbm:s6], s5  }
0x9e: {  	_ =	swait.ge [sflag:s7], s5  }
0x9f: {  	s5 =	ssub.s32 $0x0, s5;
	[sflag:s7] =	ssyncset.done $0x0  }
0xa0: {  	[sflag:s7] =	ssyncadd.s32 s5;
	_ =	sdelay $0x1  }
0xa1: {  	s23 =	simm.s32 $0x1B8B  }
0xa2: {  	_ =	swait.ge [sflag:s23], $0x1  }
0xa3: {  	[sflag:s23] =	ssyncset.done $0x0  }
0xa4: {  	[sflag:s23] =	ssyncadd.s32 $0xFFFFFFFF  }
0xa5: {  	s5 =	sld [smem:$0x0]  }
0xa6: {  	s6 =	sand.u32 $0xFFFFFFFE, s1  }
0xa7: {  	p0 =	sne.s32 s1, s6  }
0xa8: {  	s6 =	sshll.u32 @p0 s6, $0xE  }
0xa9: {  	s6 =	sadd.s32 @p0 $0x11B8D, s6;
	s7 =	sshll.u32 @p0 s5, $0x11  }
0xaa: {  	s6 =	sor.u32 @p0 s7, s6  }
0xab: {  	[sflag:s6] =	ssyncadd.remote.s32 @p0 $0x1;
	_ =	sdelay $0x1  }
0xac: {  	s6 =	simm.s32 @p0 $0x1B8D  }
0xad: {  	_ =	swait.eq @p0 [sflag:s6], $0x1  }
0xae: {  	[sflag:s6] =	ssyncadd.s32 @p0 $0xFFFFFFFF  }
0xaf: {  	s7 =	sshll.u32 @!p0 s1, $0xE  }
0xb0: {  	s7 =	sor.u32 @!p0 $0x4000, s7;
	s6 =	simm.s32 @!p0 $0x1B8D  }
0xb1: {  	s5 =	sshll.u32 @!p0 s5, $0x11;
	s7 =	sadd.s32 @!p0 $0x11B8D, s7;
	_ =	swait.eq @!p0 [sflag:s6], $0x1  }
0xb2: {  	s5 =	sor.u32 @!p0 s5, s7;
	[sflag:s6] =	ssyncadd.s32 @!p0 $0xFFFFFFFF  }
0xb3: {  	s25 =	simm.s32 $0x1B8E;
	s24 =	sld [smem:$0x3FFE];
	[sflag:s5] =	ssyncadd.remote.s32 @!p0 $0x1  }
0xb4: {  	s26 =	simm.s32 $execute0_lowered;
	[smem:$0x3FD2] =	sst s25  }
0xb5: {  	s6 =	sshll.u32 s26, $0x1;
	_ =	strace $0x80000049;
	[dreg:$0x1] =	wrdreg $0xFFFFFFFF  }
0xb6: {  	s28 =	simm.s32 $_size_execute0_lowered;
	s4 =	sadd.s32 s4, s6;
	[dreg:$0x0] =	wrdreg $0x0  }
0xb7: {  	s6 =	sshll.u32 s28, $0x1;
	[dreg:$0x2] =	wrdreg s4  }
0xb8: {  	[dreg:$0x3] =	wrdreg s6  }
0xb9: {  	[dreg:$0x4] =	wrdreg $0xC0  }
0xba: {  	_ =	task [dreg:s22], $0x5FFFF  }
0xbb: {  	[dreg:$0x1] =	wrdreg $0xFFFFFFFF  }
0xbc: {  	[dreg:$0x0] =	wrdreg $0x60  }
0xbd: {  	[dreg:$0x2] =	wrdreg s24  }
0xbe: {  	[dreg:$0x3] =	wrdreg s18  }
0xbf: {  	[dreg:$0x4] =	wrdreg $0x56800  }
0xc0: {  	[dreg:$0x5] =	wrdreg $0x9  }
0xc1: {  	_ =	task.clear_ibuf [dreg:s22], $0x6FFFF;
	_ =	strace $0x90000049  }
0xc2: {  	s29 =	simm.s32 $0x9;
	_ =	strace $0x8000004B  }
0xc3: {  	_ =	swait.ge [sflag:s29], $0x1  }
0xc4: {  	[sflag:s29] =	ssyncadd.s32 $0xFFFFFFFF  }
0xc5: {  	_ =	strace $0x9000004B  }
0xc6: {  	_ =	sfence  }
0xc7: {  	s30 =	sld [smem:$0x0];
	_ =	sdelay $0x2  }
0xc8: {  	s31 =	sshll.u32 s1, $0xD;
	s1 =	sshrl.u32 s1, $0x2  }
0xc9: {  	s4 =	sand.u32 $0x4000, s31;
	s1 =	sadd.s32 s1, s30  }
0xca: {  	s0 =	sor.u32 s4, s0;
	s1 =	sshll.u32 s1, $0x11  }
0xcb: {  	s0 =	sor.u32 s1, s0  }
0xcc: {  	s0 =	sadd.s32 $0x8F2B, s0  }
0xcd: {  	[sflag:s0] =	ssyncadd.remote.s32 $0x1  }
0xce: {  	_ =	sfence.sel $0xFFFF  }
0xcf: {  	[dreg:$0x0] =	wrdreg $0xFFFFFFFF;
	(pc) =	sbr.abs _section_cstart, $3  }
0xd0: {  	[dreg:$0x1] =	wrdreg $0xFFFFFFFF  }
0xd1: {  	_ =	task.clear_ibuf [dreg:s22], $0x2FFFF;
	_ =	strace $0x9FFFFFFF  }
0xd2: {  	(tm) =	ssettm $0x7FFFFFFF  }
0xd3: {  	_ =	shalt  }
tec
execute0_lowered:
.L_overlay_start_1:
0x0: {  	(tag) =	ssettag $0x1  }
0x1: {  	s6 =	rddreg [dreg:$0x0]  }
0x2: {  	s1 =	rddreg [dreg:$0x1]  }
0x3: {  	s3 =	rddreg [dreg:$0x2]  }
0x4: {  	s0 =	rddreg [dreg:$0x3];
	s2 =	stileid.u32  }
0x5: {  	s4 =	simm.s32 $0x0;
	s7 =	srdreg.scid;
	s5 =	smul.u32 $0x9D0, s2  }
0x6: {  	[smem:$0x7FF] =	sst s4;
	s7 =	sand.u32 $0x1, s7;
	s11 =	smul.u32 $0x4E80, s2  }
0x7: {  	s31 =	sshll.u32 s2, $0x6;
	_ =	strace $0x8000004A;
	s9 =	smul.u32 $0x9D00, s7  }
0x8: {  	s7 =	ssub.s32 $0x2, s7;
	s8 =	sadd.s32 s5, s6;
	s5 =	sadd.s32 $0x9B000, s6  }
0x9: {  	s10 =	sshrl.u32 s7, $0x1;
	s12 =	sadd.s32 s11, s3;
	s14 =	sshrl.u32 s11, $0x3  }
0xa: {  	s11 =	simm.s32 $0x4E80;
	s9 =	sadd.s32 s9, s6;
	s10 =	ssub.s32 s7, s10  }
0xb: {  	s6 =	sor.u32 $0x1C01, s31;
	s7 =	sadd.s32 $0x5600, s8;
	s13 =	sadd.s32 $0x9BA00, s9  }
0xc: {  	s8 =	smax.u32 s10, $0x1;
	s9 =	sshrl.u32 s12, $0x3;
	s10 =	simm.s32 $0x1  }
0xd: {  	s12 =	simm.s32 $0x80;
	s13 =	sadd.s32 s14, s13;
	s14 =	simm.s32 $0x0  }
.LBB2_1:
0xe: {  	[spmem:s9], [sflag:s6] =	dma.local [hbm:s5], $0x9D0  }
0xf: {  	_ =	swait.ge [sflag:s10], $0x9D0  }
0x10: {  	[sflag:s10] =	ssyncset.done $0x0  }
0x11: {  	[sflag:s10] =	ssyncadd.s32 $0xFFFFF630  }
0x12: {  	[tilespmem:s11], [sflag:$0x1] =	stream.linear.gather [hbm4b:s1+s4], $0x800, $0x38;
	[tilespmem:$0xA500] =	vst v63  }
0x13: {  	_ =	swait.ge [sflag:s10], $0x800  }
0x14: {  	[sflag:s10] =	ssyncset.done $0x0  }
0x15: {  	[sflag:s10] =	ssyncadd.s32 $0xFFFFF800  }
0x16: {  	[tilespmem:s4], [sflag:$0x1] =	stream.linear.gather [hbm4b:s7+s4], $0x4E80, $0x38;
	[tilespmem:$0xA500] =	vst v63  }
0x17: {  	_ =	swait.ge [sflag:s10], $0x4E80  }
0x18: {  	[sflag:s10] =	ssyncset.done $0x0  }
0x19: {  	[sflag:s10] =	ssyncadd.s32 $0xFFFFB180  }
0x1a: {  	s15 =	simm.s32 $0x0;
	[bflag:$0x0] =	sbarrier.arrive $0xFFFF  }
0x1b: {  	[spmem:s3] =	stream.indirect.scatter.add.f32 [tilespmem:s11], [sflag:$0x1], $0x10, s15, s12, $0xb8;
	[tilespmem:$0xA500] =	vst v63  }
0x1c: {  	_ =	swait.ge [sflag:s10], $0x800  }
0x1d: {  	s15 =	simm.s32 $0x200;
	[sflag:s10] =	ssyncset.done $0x0  }
.LBB2_2:
0x1e: {  	s16 =	sshra.s32 s15, $0x2;
	[sflag:s10] =	ssyncadd.s32 $0xFFFFF800;
	p0 =	sne.s32 s15, $0x13800  }
0x1f: {  	[spmem:s3] =	stream.indirect.scatter.add.f32 [tilespmem:s11], [sflag:$0x1], $0x10, s16, s12, $0xb8;
	[tilespmem:$0xA500] =	vst v63  }
.Ltmp0:
0x20: {  	_ = 	snop;
	(pc) =	sbr.rel @p0 .LBB2_2-.Ltmp0, $4  }
0x21: {  	_ = 	snop  }
0x22: {  	s15 =	sadd.s32 $0x200, s15  }
0x23: {  	_ =	swait.ge [sflag:s10], $0x800  }
0x24: {  	[sflag:s10] =	ssyncset.done $0x0  }
0x25: {  	s14 =	sadd.s32 $0x1, s14  }
0x26: {  	[sflag:s10] =	ssyncadd.s32 $0xFFFFF800;
	p0 =	sne.s32 s14, s8  }
.Ltmp1:
0x27: {  	[bflag:$0x0] =	sbarrier.arrive $0xFFFF;
	(pc) =	sbr.rel @p0 .LBB2_1-.Ltmp1, $4  }
0x28: {  	[hbm:s13], [sflag:s6] =	dma.local [spmem:s9], $0x9D0  }
0x29: {  	_ =	swait.ge [sflag:s10], $0x9D0  }
0x2a: {  	[sflag:s10] =	ssyncset.done $0x0  }
0x2b: {  	[sflag:s10] =	ssyncadd.s32 $0xFFFFF630  }
0x2c: {  	_ =	sfence.sel $0x180000  }
0x2d: {  	[bflag:$0x0] =	sbarrier.arrive $0xFFFF  }
0x2e: {  	p0 =	sne.s32 s2, $0x0;
	_ =	strace $0x9000004A  }
0x2f: {  	s0 =	sadd.s32 @!p0 $0x100000, s0;
	[bflag:$0x2] =	sbarrier.arrive $0xFFFF  }
0x30: {  	[sflag:s0] =	ssyncadd.tile.s32 @!p0 $0x1;
	_ =	shalt  }
.Lfunc_end2:
_tile_overlayer_lowered:
.L_overlay_start_2:
0x31: {  	(tag) =	ssettag $0x2  }
0x32: {  	s0 =	rddreg [dreg:$0x0];
	s2 =	stileid.u32  }
0x33: {  	s1 =	rddreg [dreg:$0x1];
	p0 =	sne.s32 s2, $0x0  }
0x34: {  	s3 =	rddreg [dreg:$0x2];
	[bflag:$0x3] =	sbarrier.arrive $0xFFFF;
	s2 =	simm.s32 @!p0 $0x1C01  }
0x35: {  	[timem:s3], [sflag:s2] =	dma.local @!p0 [hbm:s0], s1  }
0x36: {  	s0 =	simm.s32 @!p0 $0x1  }
0x37: {  	_ =	swait.ge @!p0 [sflag:s0], s1  }
0x38: {  	s1 =	ssub.s32 @!p0 $0x0, s1;
	[sflag:s0] =	ssyncset.done @!p0 $0x0  }
0x39: {  	[sflag:s0] =	ssyncadd.s32 @!p0 s1  }
0x3a: {  	[bflag:$0x3] =	sbarrier.arrive $0xFFFF  }
0x3b: {  	_ =	shalt  }

// kernel: rgcn_seg_accumulate.4.cloned.1.call-start
scs
__scs_entry_jumppad:
0x0: {  	(pc) =	sbr.rel $0x88, $3  }
0x1: {  	(tag) =	ssettag $0x0;
	lr =	simm.s32 $0x1  }
0x2: {  	[smem:$0x3F84] =	sst lr;
	_ =	strace $0xD0000000  }
0x3: {  	_ = 	snop  }
0x4: {  	_ = 	snop  }
0x5: {  	_ = 	snop  }
0x6: {  	_ = 	snop  }
0x7: {  	_ = 	snop  }
__scs_overlays_trampoline_lowered:
0x8: {  	[smem:$0x3F93] =	sst s0  }
0x9: {  	[smem:$0x3F94] =	sst s1  }
0xa: {  	[smem:$0x3F95] =	sst s2  }
0xb: {  	[smem:$0x3F96] =	sst s3  }
0xc: {  	[smem:$0x3F97] =	sst s4  }
0xd: {  	[smem:$0x3F98] =	sst s5  }
0xe: {  	[smem:$0x3F99] =	sst s6  }
0xf: {  	[smem:$0x3F9A] =	sst s7  }
0x10: {  	[smem:$0x3F9B] =	sst s8  }
0x11: {  	[smem:$0x3F9C] =	sst s9;
	s0 =	simm.s32 @!p0 $0x0  }
0x12: {  	s1 =	sld [smem:$0x3F82];
	s0 =	simm.s32 @p0 $0x1  }
0x13: {  	[smem:$0x3F9D] =	sst s0;
	s0 =	simm.s32 @!p1 $0x0  }
0x14: {  	s2 =	sld [smem:$0x3F81];
	s0 =	simm.s32 @p1 $0x1  }
0x15: {  	[smem:$0x3F9E] =	sst s0;
	s0 =	simm.s32 @!p2 $0x0  }
0x16: {  	s3 =	sld [smem:$0x3FDB];
	s0 =	simm.s32 @p2 $0x1  }
0x17: {  	s4 =	simm.s32 $0x1BF5;
	[smem:$0x3FA0] =	sst s0  }
0x18: {  	s0 =	sld [smem:$0x3F83];
	_ =	swait.ge [sflag:s4], $0x0  }
0x19: {  	s7 =	sld [smem:$0x3F84]  }
0x1a: {  	s8 =	sadd.s32 $0xFFFFE003, lr  }
0x1b: {  	s9 =	sadd.s32 $0xFFFFFEF7, lr;
	s5 =	simm.s32 $0xFFFFFFFF;
	p2 =	slt.u32 s8, $0xFFFFF086  }
0x1c: {  	p1 =	slt.u32 s9, $0xF7A;
	s5 =	simm.s32 @!p2 $0x0  }
0x1d: {  	s5 =	simm.s32 @p1 $0x1;
	p0 =	seq.s32 s7, s2  }
0x1e: {  	s7 =	smul.u32 @!p0 $0xF7A, s2;
	p2 =	seq.s32 @!p0 s5, $0x0  }
0x1f: {  	s9 =	smul.u32 $0xF7A, s1;
	s8 =	simm.s32 @!p0 $0x1BF5;
	p2 =	por !p2, p0  }
0x20: {  	[sflag:s8] =	ssyncset.s32 @!p0 $0xFFFFF086;
	s6 =	sadd.s32 @!p0 s3, s7;
	s7 =	simm.s32 @!p0 $0x108  }
0x21: {  	s3 =	sadd.s32 s3, s9;
	s6 =	sadd.s32 @!p0 $0x88, s6;
	s7 =	simm.s32 @p2 $0x1082  }
0x22: {  	[simem:s7], [sflag:s8] =	dma.local @!p0 [hbm:s6], $0xF7A  }
0x23: {  	s9 =	sor.u32 $0xD0000000, s2;
	s6 =	simm.s32 $0x108;
	_ =	swait.ge @!p0 [sflag:s8], $0x0  }
0x24: {  	s3 =	sadd.s32 $0x88, s3;
	s6 =	simm.s32 @!p1 $0x1082;
	[sflag:s4] =	ssyncset.s32 $0xFFFFF086  }
0x25: {  	[simem:s6], [sflag:s4] =	dma.local [hbm:s3], $0xF7A  }
0x26: {  	[smem:$0x3F84] =	sst s1;
	(tag) =	ssettag s2;
	_ =	strace s9  }
0x27: {  	s1 =	sld [smem:$0x3F94]  }
0x28: {  	s2 =	sld [smem:$0x3F95]  }
0x29: {  	s4 =	sld [smem:$0x3F97]  }
0x2a: {  	p0 =	seq.s32 s5, $0x0;
	s5 =	sld [smem:$0x3F98]  }
0x2b: {  	s6 =	sld [smem:$0x3F99]  }
0x2c: {  	s7 =	sld [smem:$0x3F9A]  }
0x2d: {  	s3 =	simm.s32 $0x108;
	s8 =	sld [smem:$0x3F9B]  }
0x2e: {  	s3 =	simm.s32 @!p0 $0x1082;
	s9 =	sld [smem:$0x3F9C]  }
0x2f: {  	lr =	sadd.s32 s0, s3;
	s0 =	sld [smem:$0x3F93]  }
0x30: {  	s3 =	sld [smem:$0x3F96]  }
0x31: {  	[smem:$0x3F9F] =	sst s10  }
0x32: {  	s10 =	sld [smem:$0x3F9D];
	_ =	sdelay $0x3  }
0x33: {  	p0 =	seq.s32 s10, $0x1;
	s10 =	sld [smem:$0x3F9F];
	_ =	sdelay $0x3  }
0x34: {  	[smem:$0x3F9F] =	sst s10  }
0x35: {  	s10 =	sld [smem:$0x3F9E];
	_ =	sdelay $0x3  }
0x36: {  	p1 =	seq.s32 s10, $0x1;
	s10 =	sld [smem:$0x3F9F];
	_ =	sdelay $0x3  }
0x37: {  	[smem:$0x3F9F] =	sst s10  }
0x38: {  	s10 =	sld [smem:$0x3FA0]  }
0x39: {  	_ = 	snop;
	(pc) =	sbr.ind lr, $3  }
0x3a: {  	_ = 	snop  }
0x3b: {  	_ = 	snop  }
0x3c: {  	p2 =	seq.s32 s10, $0x1;
	s10 =	sld [smem:$0x3F9F]  }
0x3d: {  	_ =	shalt  }
0x3e: {  	_ =	shalt  }
0x3f: {  	_ =	shalt  }
0x40: {  	_ =	shalt  }
0x41: {  	_ =	shalt  }
0x42: {  	_ =	shalt  }
0x43: {  	_ =	shalt  }
0x44: {  	_ =	shalt  }
0x45: {  	_ =	shalt  }
0x46: {  	_ =	shalt  }
0x47: {  	_ =	shalt  }
0x48: {  	_ =	shalt  }
0x49: {  	_ =	shalt  }
0x4a: {  	_ =	shalt  }
0x4b: {  	_ =	shalt  }
0x4c: {  	_ =	shalt  }
0x4d: {  	_ =	shalt  }
0x4e: {  	_ =	shalt  }
0x4f: {  	_ =	shalt  }
0x50: {  	_ =	shalt  }
0x51: {  	_ =	shalt  }
0x52: {  	_ =	shalt  }
0x53: {  	_ =	shalt  }
0x54: {  	_ =	shalt  }
0x55: {  	_ =	shalt  }
0x56: {  	_ =	shalt  }
0x57: {  	_ =	shalt  }
0x58: {  	_ =	shalt  }
0x59: {  	_ =	shalt  }
0x5a: {  	_ =	shalt  }
0x5b: {  	_ =	shalt  }
0x5c: {  	_ =	shalt  }
0x5d: {  	_ =	shalt  }
0x5e: {  	_ =	shalt  }
0x5f: {  	_ =	shalt  }
0x60: {  	_ =	shalt  }
0x61: {  	_ =	shalt  }
0x62: {  	_ =	shalt  }
0x63: {  	_ =	shalt  }
0x64: {  	_ =	shalt  }
0x65: {  	_ =	shalt  }
0x66: {  	_ =	shalt  }
0x67: {  	_ =	shalt  }
0x68: {  	_ =	shalt  }
0x69: {  	_ =	shalt  }
0x6a: {  	_ =	shalt  }
0x6b: {  	_ =	shalt  }
0x6c: {  	_ =	shalt  }
0x6d: {  	_ =	shalt  }
0x6e: {  	_ =	shalt  }
0x6f: {  	_ =	shalt  }
0x70: {  	_ =	shalt  }
0x71: {  	_ =	shalt  }
0x72: {  	_ =	shalt  }
0x73: {  	_ =	shalt  }
0x74: {  	_ =	shalt  }
0x75: {  	_ =	shalt  }
0x76: {  	_ =	shalt  }
0x77: {  	_ =	shalt  }
0x78: {  	_ =	shalt  }
0x79: {  	_ =	shalt  }
0x7a: {  	_ =	shalt  }
0x7b: {  	_ =	shalt  }
0x7c: {  	_ =	shalt  }
0x7d: {  	_ =	shalt  }
0x7e: {  	_ =	shalt  }
0x7f: {  	_ =	shalt  }
0x80: {  	_ =	shalt  }
0x81: {  	_ =	shalt  }
0x82: {  	_ =	shalt  }
0x83: {  	_ =	shalt  }
0x84: {  	_ =	shalt  }
0x85: {  	_ =	shalt  }
0x86: {  	_ =	shalt  }
0x87: {  	_ =	shalt  }
.Lfunc_end0:
.L_simem_size_0:
called_computation.1_lowered:
.L_overlay_start_0:
0x88: {  	s2 =	sld [smem:$0x3FD9]  }
0x89: {  	s3 =	sld [smem:$0x3FFE];
	_ =	sdelay $0x1  }
0x8a: {  	s1 =	srdreg.scid  }
0x8b: {  	s0 =	sand.u32 $0x1, s1  }
0x8c: {  	s16 =	sshll.u32 s0, $0xA;
	s2 =	sadd.s32 s3, s2  }
0x8d: {  	s2 =	sadd.s32 s2, s16  }
0x8e: {  	[smem:$0x3FAB] =	sst s2  }
0x8f: {  	_ = 	snop  }
0x90: {  	(tm) =	ssettm $0x1  }
0x91: {  	s17 =	sld [smem:$0x3FFB];
	_ =	sdelay $0x3  }
0x92: {  	_ =	strace s17  }
0x93: {  	s2 =	sld [smem:$0x3FFC];
	_ =	sdelay $0x3  }
0x94: {  	_ =	strace s2  }
0x95: {  	s2 =	sld [smem:$0x3FFD];
	_ =	sdelay $0x3  }
0x96: {  	_ =	strace s2  }
0x97: {  	_ =	strace $0x8FFFFFFF  }
0x98: {  	s18 =	sld [smem:$0x3FDB];
	_ =	sdelay $0x1  }
0x99: {  	s19 =	simm.s32 $_scs_section_size  }
0x9a: {  	s4 =	simm.s32 $_size__tile_overlayer_lowered;
	s5 =	simm.s32 $_tile_overlayer_lowered  }
0x9b: {  	s22 =	simm.s32 $0x1BFF;
	s21 =	sshll.u32 s5, $0x1;
	s2 =	sadd.s32 s19, s18  }
0x9c: {  	s6 =	simm.s32 $0x0;
	s20 =	sshll.u32 s4, $0x1;
	s4 =	sadd.s32 s21, s2  }
0x9d: {  	[timem:s6], [sflag:s22] =	dma.local [hbm:s4], s20  }
0x9e: {  	_ =	swait.ge [sflag:s22], s20  }
0x9f: {  	s3 =	ssub.s32 $0x0, s20;
	[sflag:s22] =	ssyncset.done $0x0  }
0xa0: {  	[sflag:s22] =	ssyncadd.s32 s3;
	_ =	sdelay $0x1  }
0xa1: {  	s23 =	simm.s32 $0x1B8B  }
0xa2: {  	_ =	swait.ge [sflag:s23], $0x1  }
0xa3: {  	[sflag:s23] =	ssyncset.done $0x0  }
0xa4: {  	s25 =	simm.s32 $0x1B8E;
	s24 =	sld [smem:$0x3FFE];
	[sflag:s23] =	ssyncadd.s32 $0xFFFFFFFF  }
0xa5: {  	s26 =	simm.s32 $execute0_lowered;
	[smem:$0x3FD2] =	sst s25  }
0xa6: {  	s4 =	sshll.u32 s26, $0x1;
	_ =	strace $0x80000046;
	[dreg:$0x1] =	wrdreg $0xFFFFFFFF  }
0xa7: {  	s28 =	simm.s32 $_size_execute0_lowered;
	s2 =	sadd.s32 s2, s4;
	[dreg:$0x0] =	wrdreg $0x0  }
0xa8: {  	s4 =	sshll.u32 s28, $0x1;
	[dreg:$0x2] =	wrdreg s2  }
0xa9: {  	[dreg:$0x3] =	wrdreg s4  }
0xaa: {  	[dreg:$0x4] =	wrdreg $0xC0  }
0xab: {  	_ =	task [dreg:s6], $0x5FFFF  }
0xac: {  	[dreg:$0x1] =	wrdreg $0xFFFFFFFF  }
0xad: {  	[dreg:$0x0] =	wrdreg $0x60  }
0xae: {  	[dreg:$0x2] =	wrdreg s24  }
0xaf: {  	[dreg:$0x3] =	wrdreg $0xBD000  }
0xb0: {  	[dreg:$0x4] =	wrdreg $0xA  }
0xb1: {  	_ =	task.clear_ibuf [dreg:s6], $0x5FFFF;
	_ =	strace $0x90000046  }
0xb2: {  	s29 =	simm.s32 $0xA;
	_ =	strace $0x80000048  }
0xb3: {  	_ =	swait.ge [sflag:s29], $0x1  }
0xb4: {  	[sflag:s29] =	ssyncadd.s32 $0xFFFFFFFF  }
0xb5: {  	_ =	strace $0x90000048  }
0xb6: {  	_ =	sfence  }
0xb7: {  	s30 =	sld [smem:$0x0];
	_ =	sdelay $0x2  }
0xb8: {  	s31 =	sshll.u32 s1, $0xD;
	s1 =	sshrl.u32 s1, $0x2  }
0xb9: {  	s3 =	sand.u32 $0x4000, s31;
	s1 =	sadd.s32 s1, s30  }
0xba: {  	s0 =	sor.u32 s3, s0;
	s1 =	sshll.u32 s1, $0x11  }
0xbb: {  	s0 =	sor.u32 s1, s0  }
0xbc: {  	s0 =	sadd.s32 $0x8F2B, s0  }
0xbd: {  	[sflag:s0] =	ssyncadd.remote.s32 $0x1  }
0xbe: {  	_ =	sfence.sel $0xFFFF  }
0xbf: {  	[dreg:$0x0] =	wrdreg $0xFFFFFFFF;
	(pc) =	sbr.abs _section_cstart, $3  }
0xc0: {  	[dreg:$0x1] =	wrdreg $0xFFFFFFFF  }
0xc1: {  	_ =	task.clear_ibuf [dreg:s6], $0x2FFFF;
	_ =	strace $0x9FFFFFFF  }
0xc2: {  	(tm) =	ssettm $0x7FFFFFFF  }
0xc3: {  	_ =	shalt  }
tec
execute0_lowered:
.L_overlay_start_1:
0x0: {  	(tag) =	ssettag $0x1  }
0x1: {  	s6 =	rddreg [dreg:$0x0]  }
0x2: {  	s1 =	rddreg [dreg:$0x1];
	s3 =	srdreg.scid  }
0x3: {  	s0 =	rddreg [dreg:$0x2];
	s5 =	sand.u32 $0x1, s3  }
0x4: {  	s2 =	simm.s32 $0x0;
	s3 =	stileid.u32;
	s7 =	smul.u32 $0x9D00, s5  }
0x5: {  	s15 =	simm.s32 $0x1;
	[smem:$0x7FF] =	sst s2;
	s11 =	smul.u32 $0x9D0, s3  }
0x6: {  	s4 =	sadd.s32 $0x22E00, s6;
	_ =	strace $0x80000047;
	s8 =	smul.u32 $0x27400, s5  }
0x7: {  	s10 =	ssub.s32 $0x2, s5;
	s12 =	smul.u32 $0x13A00, s3;
	s5 =	sadd.s32 $0x4A000, s6  }
0x8: {  	s31 =	sshll.u32 s3, $0x6;
	s30 =	sshrl.u32 s10, $0x1;
	s7 =	sadd.s32 s7, s6  }
0x9: {  	s9 =	sadd.s32 s11, s6;
	s8 =	sadd.s32 s8, s6;
	s10 =	ssub.s32 s10, s30  }
0xa: {  	s13 =	sadd.s32 s12, s1;
	s6 =	sor.u32 $0x1C02, s31;
	s17 =	sshrl.u32 s12, $0x3  }
0xb: {  	s12 =	simm.s32 $0x4E80;
	s14 =	sadd.s32 $0xF400, s7;
	s7 =	sadd.s32 $0x5600, s9  }
0xc: {  	s16 =	sadd.s32 $0x4C800, s8;
	s8 =	smax.u32 s10, $0x1;
	s9 =	sshrl.u32 s13, $0x3  }
0xd: {  	s10 =	simm.s32 $0x2;
	s13 =	simm.s32 $0x80;
	s11 =	sadd.s32 s11, s14  }
0xe: {  	s14 =	simm.s32 $0x9D00;
	s16 =	sadd.s32 s17, s16;
	s17 =	simm.s32 $0x0  }
.LBB2_1:
0xf: {  	[spmem:s9], [sflag:s6] =	dma.local [hbm:s5], $0x2740  }
0x10: {  	_ =	swait.ge [sflag:s10], $0x2740  }
0x11: {  	[sflag:s10] =	ssyncset.done $0x0  }
0x12: {  	[sflag:s10] =	ssyncadd.s32 $0xFFFFD8C0  }
0x13: {  	[tilespmem:s2], [sflag:$0x2] =	stream.linear.gather [hbm4b:s11+s2], $0x4E80, $0x38;
	[tilespmem:$0x1F700] =	vst v63  }
0x14: {  	_ =	swait.ge [sflag:s10], $0x4E80  }
0x15: {  	[sflag:s10] =	ssyncset.done $0x0  }
0x16: {  	[sflag:s10] =	ssyncadd.s32 $0xFFFFB180  }
0x17: {  	[tilespmem:s12], [sflag:$0x2] =	stream.linear.gather [hbm4b:s7+s2], $0x4E80, $0x38;
	[tilespmem:$0x1F700] =	vst v63  }
0x18: {  	_ =	swait.ge [sflag:s10], $0x4E80  }
0x19: {  	[sflag:s10] =	ssyncset.done $0x0  }
0x1a: {  	[sflag:s10] =	ssyncadd.s32 $0xFFFFB180  }
0x1b: {  	s18 =	simm.s32 $0x0;
	[bflag:$0x0] =	sbarrier.arrive $0xFFFF  }
0x1c: {  	[tilespmem:s14], [sflag:$0x1] =	stream.indirect.gather [hbm4b:s4+s13], $0x40, s18, s13, $0xb8;
	[tilespmem:$0x1F700] =	vst v63  }
0x1d: {  	_ =	swait.ge [sflag:s15], $0x2000  }
0x1e: {  	[sflag:s15] =	ssyncset.done $0x0  }
0x1f: {  	s31 =	simm.s32 $0x4E80;
	[sflag:s15] =	ssyncadd.s32 $0xFFFFE000  }
0x20: {  	[spmem:s1] =	stream.indirect.scatter.add.f32 [tilespmem:s14], [sflag:$0x2], $0x40, s31, s13, $0xb8;
	[tilespmem:$0x1F700] =	vst v63  }
0x21: {  	_ =	swait.ge [sflag:s10], $0x2000  }
0x22: {  	s19 =	simm.s32 $0x400;
	s18 =	simm.s32 $0x200;
	[sflag:s10] =	ssyncset.done $0x0  }
.LBB2_2:
0x23: {  	s20 =	sshra.s32 s18, $0x2  }
0x24: {  	[sflag:s10] =	ssyncadd.s32 $0xFFFFE000;
	s18 =	smov.u32 s19;
	s21 =	sadd.s32 $0x200, s19  }
0x25: {  	[tilespmem:s14], [sflag:$0x1] =	stream.indirect.gather [hbm4b:s4+s13], $0x40, s20, s13, $0xb8;
	[tilespmem:$0x1F700] =	vst v63  }
0x26: {  	p0 =	sne.s32 s19, $0x13800;
	_ =	swait.ge [sflag:s15], $0x2000  }
.Ltmp0:
0x27: {  	[sflag:s15] =	ssyncset.done $0x0;
	(pc) =	sbr.rel @p0 .LBB2_2-.Ltmp0, $4  }
0x28: {  	s19 =	sadd.s32 $0x4E80, s20;
	[sflag:s15] =	ssyncadd.s32 $0xFFFFE000  }
0x29: {  	[spmem:s1] =	stream.indirect.scatter.add.f32 [tilespmem:s14], [sflag:$0x2], $0x40, s19, s13, $0xb8;
	[tilespmem:$0x1F700] =	vst v63  }
0x2a: {  	_ =	swait.ge [sflag:s10], $0x2000  }
0x2b: {  	s19 =	smov.u32 s21;
	[sflag:s10] =	ssyncset.done $0x0  }
0x2c: {  	s18 =	sshra.s32 s18, $0x2;
	[sflag:s10] =	ssyncadd.s32 $0xFFFFE000  }
0x2d: {  	[tilespmem:s14], [sflag:$0x1] =	stream.indirect.gather [hbm4b:s4+s13], $0x40, s18, s13, $0xb8;
	[tilespmem:$0x1F700] =	vst v63  }
0x2e: {  	_ =	swait.ge [sflag:s15], $0x2000  }
0x2f: {  	[sflag:s15] =	ssyncset.done $0x0  }
0x30: {  	s18 =	sadd.s32 $0x4E80, s18;
	[sflag:s15] =	ssyncadd.s32 $0xFFFFE000  }
0x31: {  	[spmem:s1] =	stream.indirect.scatter.add.f32 [tilespmem:s14], [sflag:$0x2], $0x40, s18, s13, $0xb8;
	[tilespmem:$0x1F700] =	vst v63  }
0x32: {  	_ =	swait.ge [sflag:s10], $0x2000  }
0x33: {  	s17 =	sadd.s32 $0x1, s17;
	[sflag:s10] =	ssyncset.done $0x0  }
0x34: {  	p0 =	sne.s32 s17, s8;
	[sflag:s10] =	ssyncadd.s32 $0xFFFFE000  }
.Ltmp1:
0x35: {  	[bflag:$0x0] =	sbarrier.arrive $0xFFFF;
	(pc) =	sbr.rel @p0 .LBB2_1-.Ltmp1, $4  }
0x36: {  	[hbm:s16], [sflag:s6] =	dma.local [spmem:s9], $0x2740  }
0x37: {  	_ =	swait.ge [sflag:s10], $0x2740  }
0x38: {  	[sflag:s10] =	ssyncset.done $0x0  }
0x39: {  	[sflag:s10] =	ssyncadd.s32 $0xFFFFD8C0  }
0x3a: {  	_ =	sfence.sel $0x180000  }
0x3b: {  	[bflag:$0x0] =	sbarrier.arrive $0xFFFF  }
0x3c: {  	p0 =	sne.s32 s3, $0x0;
	_ =	strace $0x90000047  }
0x3d: {  	s0 =	sadd.s32 @!p0 $0x100000, s0;
	[bflag:$0x2] =	sbarrier.arrive $0xFFFF  }
0x3e: {  	[sflag:s0] =	ssyncadd.tile.s32 @!p0 $0x1;
	_ =	shalt  }
.Lfunc_end2:
_tile_overlayer_lowered:
.L_overlay_start_2:
0x3f: {  	(tag) =	ssettag $0x2  }
0x40: {  	s0 =	rddreg [dreg:$0x0];
	s2 =	stileid.u32  }
0x41: {  	s1 =	rddreg [dreg:$0x1];
	p0 =	sne.s32 s2, $0x0  }
0x42: {  	s3 =	rddreg [dreg:$0x2];
	[bflag:$0x3] =	sbarrier.arrive $0xFFFF;
	s2 =	simm.s32 @!p0 $0x1C02  }
0x43: {  	[timem:s3], [sflag:s2] =	dma.local @!p0 [hbm:s0], s1  }
0x44: {  	s0 =	simm.s32 @!p0 $0x2  }
0x45: {  	_ =	swait.ge @!p0 [sflag:s0], s1  }
0x46: {  	s1 =	ssub.s32 @!p0 $0x0, s1;
	[sflag:s0] =	ssyncset.done @!p0 $0x0  }
0x47: {  	[sflag:s0] =	ssyncadd.s32 @!p0 s1  }
0x48: {  	[bflag:$0x3] =	sbarrier.arrive $0xFFFF  }
0x49: {  	_ =	shalt  }

// kernel: rgcn_seg_accumulate.7.cloned.1.call-start
scs
__scs_entry_jumppad:
0x0: {  	(pc) =	sbr.rel $0x88, $3  }
0x1: {  	(tag) =	ssettag $0x0;
	lr =	simm.s32 $0x1  }
0x2: {  	[smem:$0x3F84] =	sst lr;
	_ =	strace $0xD0000000  }
0x3: {  	_ = 	snop  }
0x4: {  	_ = 	snop  }
0x5: {  	_ = 	snop  }
0x6: {  	_ = 	snop  }
0x7: {  	_ = 	snop  }
__scs_overlays_trampoline_lowered:
0x8: {  	[smem:$0x3F93] =	sst s0  }
0x9: {  	[smem:$0x3F94] =	sst s1  }
0xa: {  	[smem:$0x3F95] =	sst s2  }
0xb: {  	[smem:$0x3F96] =	sst s3  }
0xc: {  	[smem:$0x3F97] =	sst s4  }
0xd: {  	[smem:$0x3F98] =	sst s5  }
0xe: {  	[smem:$0x3F99] =	sst s6  }
0xf: {  	[smem:$0x3F9A] =	sst s7  }
0x10: {  	[smem:$0x3F9B] =	sst s8  }
0x11: {  	[smem:$0x3F9C] =	sst s9;
	s0 =	simm.s32 @!p0 $0x0  }
0x12: {  	s1 =	sld [smem:$0x3F82];
	s0 =	simm.s32 @p0 $0x1  }
0x13: {  	[smem:$0x3F9D] =	sst s0;
	s0 =	simm.s32 @!p1 $0x0  }
0x14: {  	s2 =	sld [smem:$0x3F81];
	s0 =	simm.s32 @p1 $0x1  }
0x15: {  	[smem:$0x3F9E] =	sst s0;
	s0 =	simm.s32 @!p2 $0x0  }
0x16: {  	s3 =	sld [smem:$0x3FDB];
	s0 =	simm.s32 @p2 $0x1  }
0x17: {  	s4 =	simm.s32 $0x1BF5;
	[smem:$0x3FA0] =	sst s0  }
0x18: {  	s0 =	sld [smem:$0x3F83];
	_ =	swait.ge [sflag:s4], $0x0  }
0x19: {  	s7 =	sld [smem:$0x3F84]  }
0x1a: {  	s8 =	sadd.s32 $0xFFFFE003, lr  }
0x1b: {  	s9 =	sadd.s32 $0xFFFFFEF7, lr;
	s5 =	simm.s32 $0xFFFFFFFF;
	p2 =	slt.u32 s8, $0xFFFFF086  }
0x1c: {  	p1 =	slt.u32 s9, $0xF7A;
	s5 =	simm.s32 @!p2 $0x0  }
0x1d: {  	s5 =	simm.s32 @p1 $0x1;
	p0 =	seq.s32 s7, s2  }
0x1e: {  	s7 =	smul.u32 @!p0 $0xF7A, s2;
	p2 =	seq.s32 @!p0 s5, $0x0  }
0x1f: {  	s9 =	smul.u32 $0xF7A, s1;
	s8 =	simm.s32 @!p0 $0x1BF5;
	p2 =	por !p2, p0  }
0x20: {  	[sflag:s8] =	ssyncset.s32 @!p0 $0xFFFFF086;
	s6 =	sadd.s32 @!p0 s3, s7;
	s7 =	simm.s32 @!p0 $0x108  }
0x21: {  	s3 =	sadd.s32 s3, s9;
	s6 =	sadd.s32 @!p0 $0x88, s6;
	s7 =	simm.s32 @p2 $0x1082  }
0x22: {  	[simem:s7], [sflag:s8] =	dma.local @!p0 [hbm:s6], $0xF7A  }
0x23: {  	s9 =	sor.u32 $0xD0000000, s2;
	s6 =	simm.s32 $0x108;
	_ =	swait.ge @!p0 [sflag:s8], $0x0  }
0x24: {  	s3 =	sadd.s32 $0x88, s3;
	s6 =	simm.s32 @!p1 $0x1082;
	[sflag:s4] =	ssyncset.s32 $0xFFFFF086  }
0x25: {  	[simem:s6], [sflag:s4] =	dma.local [hbm:s3], $0xF7A  }
0x26: {  	[smem:$0x3F84] =	sst s1;
	(tag) =	ssettag s2;
	_ =	strace s9  }
0x27: {  	s1 =	sld [smem:$0x3F94]  }
0x28: {  	s2 =	sld [smem:$0x3F95]  }
0x29: {  	s4 =	sld [smem:$0x3F97]  }
0x2a: {  	p0 =	seq.s32 s5, $0x0;
	s5 =	sld [smem:$0x3F98]  }
0x2b: {  	s6 =	sld [smem:$0x3F99]  }
0x2c: {  	s7 =	sld [smem:$0x3F9A]  }
0x2d: {  	s3 =	simm.s32 $0x108;
	s8 =	sld [smem:$0x3F9B]  }
0x2e: {  	s3 =	simm.s32 @!p0 $0x1082;
	s9 =	sld [smem:$0x3F9C]  }
0x2f: {  	lr =	sadd.s32 s0, s3;
	s0 =	sld [smem:$0x3F93]  }
0x30: {  	s3 =	sld [smem:$0x3F96]  }
0x31: {  	[smem:$0x3F9F] =	sst s10  }
0x32: {  	s10 =	sld [smem:$0x3F9D];
	_ =	sdelay $0x3  }
0x33: {  	p0 =	seq.s32 s10, $0x1;
	s10 =	sld [smem:$0x3F9F];
	_ =	sdelay $0x3  }
0x34: {  	[smem:$0x3F9F] =	sst s10  }
0x35: {  	s10 =	sld [smem:$0x3F9E];
	_ =	sdelay $0x3  }
0x36: {  	p1 =	seq.s32 s10, $0x1;
	s10 =	sld [smem:$0x3F9F];
	_ =	sdelay $0x3  }
0x37: {  	[smem:$0x3F9F] =	sst s10  }
0x38: {  	s10 =	sld [smem:$0x3FA0]  }
0x39: {  	_ = 	snop;
	(pc) =	sbr.ind lr, $3  }
0x3a: {  	_ = 	snop  }
0x3b: {  	_ = 	snop  }
0x3c: {  	p2 =	seq.s32 s10, $0x1;
	s10 =	sld [smem:$0x3F9F]  }
0x3d: {  	_ =	shalt  }
0x3e: {  	_ =	shalt  }
0x3f: {  	_ =	shalt  }
0x40: {  	_ =	shalt  }
0x41: {  	_ =	shalt  }
0x42: {  	_ =	shalt  }
0x43: {  	_ =	shalt  }
0x44: {  	_ =	shalt  }
0x45: {  	_ =	shalt  }
0x46: {  	_ =	shalt  }
0x47: {  	_ =	shalt  }
0x48: {  	_ =	shalt  }
0x49: {  	_ =	shalt  }
0x4a: {  	_ =	shalt  }
0x4b: {  	_ =	shalt  }
0x4c: {  	_ =	shalt  }
0x4d: {  	_ =	shalt  }
0x4e: {  	_ =	shalt  }
0x4f: {  	_ =	shalt  }
0x50: {  	_ =	shalt  }
0x51: {  	_ =	shalt  }
0x52: {  	_ =	shalt  }
0x53: {  	_ =	shalt  }
0x54: {  	_ =	shalt  }
0x55: {  	_ =	shalt  }
0x56: {  	_ =	shalt  }
0x57: {  	_ =	shalt  }
0x58: {  	_ =	shalt  }
0x59: {  	_ =	shalt  }
0x5a: {  	_ =	shalt  }
0x5b: {  	_ =	shalt  }
0x5c: {  	_ =	shalt  }
0x5d: {  	_ =	shalt  }
0x5e: {  	_ =	shalt  }
0x5f: {  	_ =	shalt  }
0x60: {  	_ =	shalt  }
0x61: {  	_ =	shalt  }
0x62: {  	_ =	shalt  }
0x63: {  	_ =	shalt  }
0x64: {  	_ =	shalt  }
0x65: {  	_ =	shalt  }
0x66: {  	_ =	shalt  }
0x67: {  	_ =	shalt  }
0x68: {  	_ =	shalt  }
0x69: {  	_ =	shalt  }
0x6a: {  	_ =	shalt  }
0x6b: {  	_ =	shalt  }
0x6c: {  	_ =	shalt  }
0x6d: {  	_ =	shalt  }
0x6e: {  	_ =	shalt  }
0x6f: {  	_ =	shalt  }
0x70: {  	_ =	shalt  }
0x71: {  	_ =	shalt  }
0x72: {  	_ =	shalt  }
0x73: {  	_ =	shalt  }
0x74: {  	_ =	shalt  }
0x75: {  	_ =	shalt  }
0x76: {  	_ =	shalt  }
0x77: {  	_ =	shalt  }
0x78: {  	_ =	shalt  }
0x79: {  	_ =	shalt  }
0x7a: {  	_ =	shalt  }
0x7b: {  	_ =	shalt  }
0x7c: {  	_ =	shalt  }
0x7d: {  	_ =	shalt  }
0x7e: {  	_ =	shalt  }
0x7f: {  	_ =	shalt  }
0x80: {  	_ =	shalt  }
0x81: {  	_ =	shalt  }
0x82: {  	_ =	shalt  }
0x83: {  	_ =	shalt  }
0x84: {  	_ =	shalt  }
0x85: {  	_ =	shalt  }
0x86: {  	_ =	shalt  }
0x87: {  	_ =	shalt  }
.Lfunc_end0:
.L_simem_size_0:
called_computation.2_lowered:
.L_overlay_start_0:
0x88: {  	s2 =	sld [smem:$0x3FD9]  }
0x89: {  	s3 =	sld [smem:$0x3FFE];
	_ =	sdelay $0x1  }
0x8a: {  	s1 =	srdreg.scid  }
0x8b: {  	s0 =	sand.u32 $0x1, s1  }
0x8c: {  	s16 =	sshll.u32 s0, $0xA;
	s2 =	sadd.s32 s3, s2  }
0x8d: {  	s2 =	sadd.s32 s2, s16  }
0x8e: {  	[smem:$0x3FAB] =	sst s2  }
0x8f: {  	_ = 	snop  }
0x90: {  	(tm) =	ssettm $0x1  }
0x91: {  	s17 =	sld [smem:$0x3FFB];
	_ =	sdelay $0x3  }
0x92: {  	_ =	strace s17  }
0x93: {  	s2 =	sld [smem:$0x3FFC];
	_ =	sdelay $0x3  }
0x94: {  	_ =	strace s2  }
0x95: {  	s2 =	sld [smem:$0x3FFD];
	_ =	sdelay $0x3  }
0x96: {  	_ =	strace s2  }
0x97: {  	_ =	strace $0x8FFFFFFF  }
0x98: {  	s18 =	sld [smem:$0x3FDB];
	_ =	sdelay $0x1  }
0x99: {  	s19 =	simm.s32 $_scs_section_size  }
0x9a: {  	s4 =	simm.s32 $_size__tile_overlayer_lowered;
	s5 =	simm.s32 $_tile_overlayer_lowered  }
0x9b: {  	s22 =	simm.s32 $0x1BFF;
	s21 =	sshll.u32 s5, $0x1;
	s2 =	sadd.s32 s19, s18  }
0x9c: {  	s6 =	simm.s32 $0x0;
	s20 =	sshll.u32 s4, $0x1;
	s4 =	sadd.s32 s21, s2  }
0x9d: {  	[timem:s6], [sflag:s22] =	dma.local [hbm:s4], s20  }
0x9e: {  	_ =	swait.ge [sflag:s22], s20  }
0x9f: {  	s3 =	ssub.s32 $0x0, s20;
	[sflag:s22] =	ssyncset.done $0x0  }
0xa0: {  	[sflag:s22] =	ssyncadd.s32 s3;
	_ =	sdelay $0x1  }
0xa1: {  	s23 =	simm.s32 $0x1B8B  }
0xa2: {  	_ =	swait.ge [sflag:s23], $0x1  }
0xa3: {  	[sflag:s23] =	ssyncset.done $0x0  }
0xa4: {  	s25 =	simm.s32 $0x1B8E;
	s24 =	sld [smem:$0x3FFE];
	[sflag:s23] =	ssyncadd.s32 $0xFFFFFFFF  }
0xa5: {  	s26 =	simm.s32 $execute0_lowered;
	[smem:$0x3FD2] =	sst s25  }
0xa6: {  	s4 =	sshll.u32 s26, $0x1;
	_ =	strace $0x8000004C;
	[dreg:$0x1] =	wrdreg $0xFFFFFFFF  }
0xa7: {  	s28 =	simm.s32 $_size_execute0_lowered;
	s2 =	sadd.s32 s2, s4;
	[dreg:$0x0] =	wrdreg $0x0  }
0xa8: {  	s4 =	sshll.u32 s28, $0x1;
	[dreg:$0x2] =	wrdreg s2  }
0xa9: {  	[dreg:$0x3] =	wrdreg s4  }
0xaa: {  	[dreg:$0x4] =	wrdreg $0xC0  }
0xab: {  	_ =	task [dreg:s6], $0x5FFFF  }
0xac: {  	[dreg:$0x1] =	wrdreg $0xFFFFFFFF  }
0xad: {  	[dreg:$0x0] =	wrdreg $0x60  }
0xae: {  	[dreg:$0x2] =	wrdreg s24  }
0xaf: {  	[dreg:$0x3] =	wrdreg $0xBD000  }
0xb0: {  	[dreg:$0x4] =	wrdreg $0x9  }
0xb1: {  	_ =	task.clear_ibuf [dreg:s6], $0x5FFFF;
	_ =	strace $0x9000004C  }
0xb2: {  	s29 =	simm.s32 $0x9;
	_ =	strace $0x8000004E  }
0xb3: {  	_ =	swait.ge [sflag:s29], $0x1  }
0xb4: {  	[sflag:s29] =	ssyncadd.s32 $0xFFFFFFFF  }
0xb5: {  	_ =	strace $0x9000004E  }
0xb6: {  	_ =	sfence  }
0xb7: {  	s30 =	sld [smem:$0x0];
	_ =	sdelay $0x2  }
0xb8: {  	s31 =	sshll.u32 s1, $0xD;
	s1 =	sshrl.u32 s1, $0x2  }
0xb9: {  	s3 =	sand.u32 $0x4000, s31;
	s1 =	sadd.s32 s1, s30  }
0xba: {  	s0 =	sor.u32 s3, s0;
	s1 =	sshll.u32 s1, $0x11  }
0xbb: {  	s0 =	sor.u32 s1, s0  }
0xbc: {  	s0 =	sadd.s32 $0x8F2B, s0  }
0xbd: {  	[sflag:s0] =	ssyncadd.remote.s32 $0x1  }
0xbe: {  	_ =	sfence.sel $0xFFFF  }
0xbf: {  	[dreg:$0x0] =	wrdreg $0xFFFFFFFF;
	(pc) =	sbr.abs _section_cstart, $3  }
0xc0: {  	[dreg:$0x1] =	wrdreg $0xFFFFFFFF  }
0xc1: {  	_ =	task.clear_ibuf [dreg:s6], $0x2FFFF;
	_ =	strace $0x9FFFFFFF  }
0xc2: {  	(tm) =	ssettm $0x7FFFFFFF  }
0xc3: {  	_ =	shalt  }
tec
execute0_lowered:
.L_overlay_start_1:
0x0: {  	(tag) =	ssettag $0x1  }
0x1: {  	s6 =	rddreg [dreg:$0x0]  }
0x2: {  	s1 =	rddreg [dreg:$0x1];
	s3 =	srdreg.scid  }
0x3: {  	s0 =	rddreg [dreg:$0x2];
	s5 =	sand.u32 $0x1, s3  }
0x4: {  	s2 =	simm.s32 $0x0;
	s3 =	stileid.u32;
	s7 =	smul.u32 $0x9D00, s5  }
0x5: {  	s15 =	simm.s32 $0x1;
	[smem:$0x7FF] =	sst s2;
	s11 =	smul.u32 $0x9D0, s3  }
0x6: {  	s4 =	sadd.s32 $0x22E00, s6;
	_ =	strace $0x8000004D;
	s8 =	smul.u32 $0x27400, s5  }
0x7: {  	s10 =	ssub.s32 $0x2, s5;
	s12 =	smul.u32 $0x13A00, s3;
	s5 =	sadd.s32 $0x4A000, s6  }
0x8: {  	s31 =	sshll.u32 s3, $0x6;
	s30 =	sshrl.u32 s10, $0x1;
	s7 =	sadd.s32 s7, s6  }
0x9: {  	s9 =	sadd.s32 s11, s6;
	s8 =	sadd.s32 s8, s6;
	s10 =	ssub.s32 s10, s30  }
0xa: {  	s13 =	sadd.s32 s12, s1;
	s6 =	sor.u32 $0x1C02, s31;
	s17 =	sshrl.u32 s12, $0x3  }
0xb: {  	s12 =	simm.s32 $0x4E80;
	s14 =	sadd.s32 $0xF400, s7;
	s7 =	sadd.s32 $0x5600, s9  }
0xc: {  	s16 =	sadd.s32 $0x4C800, s8;
	s8 =	smax.u32 s10, $0x1;
	s9 =	sshrl.u32 s13, $0x3  }
0xd: {  	s10 =	simm.s32 $0x2;
	s13 =	simm.s32 $0x80;
	s11 =	sadd.s32 s11, s14  }
0xe: {  	s14 =	simm.s32 $0x9D00;
	s16 =	sadd.s32 s17, s16;
	s17 =	simm.s32 $0x0  }
.LBB2_1:
0xf: {  	[spmem:s9], [sflag:s6] =	dma.local [hbm:s5], $0x2740  }
0x10: {  	_ =	swait.ge [sflag:s10], $0x2740  }
0x11: {  	[sflag:s10] =	ssyncset.done $0x0  }
0x12: {  	[sflag:s10] =	ssyncadd.s32 $0xFFFFD8C0  }
0x13: {  	[tilespmem:s2], [sflag:$0x2] =	stream.linear.gather [hbm4b:s11+s2], $0x4E80, $0x38;
	[tilespmem:$0x1F700] =	vst v63  }
0x14: {  	_ =	swait.ge [sflag:s10], $0x4E80  }
0x15: {  	[sflag:s10] =	ssyncset.done $0x0  }
0x16: {  	[sflag:s10] =	ssyncadd.s32 $0xFFFFB180  }
0x17: {  	[tilespmem:s12], [sflag:$0x2] =	stream.linear.gather [hbm4b:s7+s2], $0x4E80, $0x38;
	[tilespmem:$0x1F700] =	vst v63  }
0x18: {  	_ =	swait.ge [sflag:s10], $0x4E80  }
0x19: {  	[sflag:s10] =	ssyncset.done $0x0  }
0x1a: {  	[sflag:s10] =	ssyncadd.s32 $0xFFFFB180  }
0x1b: {  	s18 =	simm.s32 $0x0;
	[bflag:$0x0] =	sbarrier.arrive $0xFFFF  }
0x1c: {  	[tilespmem:s14], [sflag:$0x1] =	stream.indirect.gather [hbm4b:s4+s13], $0x40, s18, s13, $0xb8;
	[tilespmem:$0x1F700] =	vst v63  }
0x1d: {  	_ =	swait.ge [sflag:s15], $0x2000  }
0x1e: {  	[sflag:s15] =	ssyncset.done $0x0  }
0x1f: {  	s31 =	simm.s32 $0x4E80;
	[sflag:s15] =	ssyncadd.s32 $0xFFFFE000  }
0x20: {  	[spmem:s1] =	stream.indirect.scatter.add.f32 [tilespmem:s14], [sflag:$0x2], $0x40, s31, s13, $0xb8;
	[tilespmem:$0x1F700] =	vst v63  }
0x21: {  	_ =	swait.ge [sflag:s10], $0x2000  }
0x22: {  	s19 =	simm.s32 $0x400;
	s18 =	simm.s32 $0x200;
	[sflag:s10] =	ssyncset.done $0x0  }
.LBB2_2:
0x23: {  	s20 =	sshra.s32 s18, $0x2  }
0x24: {  	[sflag:s10] =	ssyncadd.s32 $0xFFFFE000;
	s18 =	smov.u32 s19;
	s21 =	sadd.s32 $0x200, s19  }
0x25: {  	[tilespmem:s14], [sflag:$0x1] =	stream.indirect.gather [hbm4b:s4+s13], $0x40, s20, s13, $0xb8;
	[tilespmem:$0x1F700] =	vst v63  }
0x26: {  	p0 =	sne.s32 s19, $0x13800;
	_ =	swait.ge [sflag:s15], $0x2000  }
.Ltmp0:
0x27: {  	[sflag:s15] =	ssyncset.done $0x0;
	(pc) =	sbr.rel @p0 .LBB2_2-.Ltmp0, $4  }
0x28: {  	s19 =	sadd.s32 $0x4E80, s20;
	[sflag:s15] =	ssyncadd.s32 $0xFFFFE000  }
0x29: {  	[spmem:s1] =	stream.indirect.scatter.add.f32 [tilespmem:s14], [sflag:$0x2], $0x40, s19, s13, $0xb8;
	[tilespmem:$0x1F700] =	vst v63  }
0x2a: {  	_ =	swait.ge [sflag:s10], $0x2000  }
0x2b: {  	s19 =	smov.u32 s21;
	[sflag:s10] =	ssyncset.done $0x0  }
0x2c: {  	s18 =	sshra.s32 s18, $0x2;
	[sflag:s10] =	ssyncadd.s32 $0xFFFFE000  }
0x2d: {  	[tilespmem:s14], [sflag:$0x1] =	stream.indirect.gather [hbm4b:s4+s13], $0x40, s18, s13, $0xb8;
	[tilespmem:$0x1F700] =	vst v63  }
0x2e: {  	_ =	swait.ge [sflag:s15], $0x2000  }
0x2f: {  	[sflag:s15] =	ssyncset.done $0x0  }
0x30: {  	s18 =	sadd.s32 $0x4E80, s18;
	[sflag:s15] =	ssyncadd.s32 $0xFFFFE000  }
0x31: {  	[spmem:s1] =	stream.indirect.scatter.add.f32 [tilespmem:s14], [sflag:$0x2], $0x40, s18, s13, $0xb8;
	[tilespmem:$0x1F700] =	vst v63  }
0x32: {  	_ =	swait.ge [sflag:s10], $0x2000  }
0x33: {  	s17 =	sadd.s32 $0x1, s17;
	[sflag:s10] =	ssyncset.done $0x0  }
0x34: {  	p0 =	sne.s32 s17, s8;
	[sflag:s10] =	ssyncadd.s32 $0xFFFFE000  }
.Ltmp1:
0x35: {  	[bflag:$0x0] =	sbarrier.arrive $0xFFFF;
	(pc) =	sbr.rel @p0 .LBB2_1-.Ltmp1, $4  }
0x36: {  	[hbm:s16], [sflag:s6] =	dma.local [spmem:s9], $0x2740  }
0x37: {  	_ =	swait.ge [sflag:s10], $0x2740  }
0x38: {  	[sflag:s10] =	ssyncset.done $0x0  }
0x39: {  	[sflag:s10] =	ssyncadd.s32 $0xFFFFD8C0  }
0x3a: {  	_ =	sfence.sel $0x180000  }
0x3b: {  	[bflag:$0x0] =	sbarrier.arrive $0xFFFF  }
0x3c: {  	p0 =	sne.s32 s3, $0x0;
	_ =	strace $0x9000004D  }
0x3d: {  	s0 =	sadd.s32 @!p0 $0x100000, s0;
	[bflag:$0x2] =	sbarrier.arrive $0xFFFF  }
0x3e: {  	[sflag:s0] =	ssyncadd.tile.s32 @!p0 $0x1;
	_ =	shalt  }
.Lfunc_end2:
_tile_overlayer_lowered:
.L_overlay_start_2:
0x3f: {  	(tag) =	ssettag $0x2  }
0x40: {  	s0 =	rddreg [dreg:$0x0];
	s2 =	stileid.u32  }
0x41: {  	s1 =	rddreg [dreg:$0x1];
	p0 =	sne.s32 s2, $0x0  }
0x42: {  	s3 =	rddreg [dreg:$0x2];
	[bflag:$0x3] =	sbarrier.arrive $0xFFFF;
	s2 =	simm.s32 @!p0 $0x1C02  }
0x43: {  	[timem:s3], [sflag:s2] =	dma.local @!p0 [hbm:s0], s1  }
0x44: {  	s0 =	simm.s32 @!p0 $0x2  }
0x45: {  	_ =	swait.ge @!p0 [sflag:s0], s1  }
0x46: {  	s1 =	ssub.s32 @!p0 $0x0, s1;
	[sflag:s0] =	ssyncset.done @!p0 $0x0  }
0x47: {  	[sflag:s0] =	ssyncadd.s32 @!p0 s1  }
0x48: {  	[bflag:$0x3] =	sbarrier.arrive $0xFFFF  }
0x49: {  	_ =	shalt  }

</sc_bundles>
